<compile_context>
chip_gen: v7x
topology: tpu7x:2x2x1
jax: 0.10.2.dev20260603
libtpu: 0.0.44.dev20260713+nightly
codegen_flags: <defaults>
</compile_context>

<pallas_src>
import functools

import jax
import jax.numpy as jnp
from jax import lax
from jax.experimental import pallas as pl
from jax.experimental.pallas import tpu as pltpu
from jax.experimental.pallas import tpu_sc as plsc

_BN = 1024
_SLAB = 512


def _argmin_body(x_ref, e2_ref, o_ref, nee_ref):

    @pl.when(pl.program_id(0) == 0)
    def _():
        e2 = e2_ref[...]
        nee_ref[...] = -0.25 * jnp.sum(e2 * e2, axis=1, keepdims=True)

    nee = nee_ref[...]
    e2 = e2_ref[...]
    for h in range(_BN // _SLAB):
        x = x_ref[pl.ds(h * _SLAB, _SLAB), :]
        dot2t = lax.dot_general(e2, x, (((1,), (1,)), ((), ())),
                                preferred_element_type=jnp.float32)
        xx = jnp.sum(x * x, axis=1)
        dist = (dot2t - xx[None, :]) + nee
        o_ref[0, 0, pl.ds(h * _SLAB, _SLAB)] = (
            jnp.argmax(dist, axis=0).astype(jnp.int32))


def _argmin_indices(xf, e2, blk0, nb):
    n, d = xf.shape
    k = e2.shape[0]
    out = pl.pallas_call(
        _argmin_body,
        grid=(nb,),
        in_specs=[
            pl.BlockSpec((_BN, d), lambda i: (i + blk0, 0)),
            pl.BlockSpec((k, d), lambda i: (0, 0)),
        ],
        out_specs=pl.BlockSpec((1, 1, _BN), lambda i: (i, 0, 0)),
        out_shape=jax.ShapeDtypeStruct((nb, 1, _BN), jnp.int32),
        scratch_shapes=[pltpu.VMEM((k, 1), jnp.float32)],
    )(xf, e2)
    return out.reshape(nb * _BN)


def _gather_rows(table, idx):
    info = plsc.get_sparse_core_info()
    nc, ns = info.num_cores, info.num_subcores
    nw = nc * ns
    n = idx.shape[0]
    d = table.shape[1]
    b_per_w = n // nw
    ch = 144
    nch = b_per_w // ch
    nbuf = min(3, nch)
    mesh = plsc.VectorSubcoreMesh(core_axis_name="c", subcore_axis_name="s")

    @functools.partial(
        pl.kernel, mesh=mesh,
        out_type=jax.ShapeDtypeStruct((n, d), jnp.float32),
        scratch_types=[
            pltpu.VMEM((b_per_w,), jnp.int32),
            pltpu.VMEM((nbuf, ch, d), jnp.float32),
            pltpu.SemaphoreType.DMA((nbuf,)),
            pltpu.SemaphoreType.DMA((nbuf,)),
        ],
    )
    def k(table_hbm, idx_hbm, out_hbm, idx_v, rows_v, gsem, ssem):
        wid = lax.axis_index("s") * nc + lax.axis_index("c")
        base = wid * b_per_w
        pltpu.sync_copy(idx_hbm.at[pl.ds(base, b_per_w)], idx_v)
        gathers = [None] * nch
        stores = [None] * nch
        for c in range(min(nbuf, nch)):
            gathers[c] = pltpu.async_copy(
                table_hbm.at[idx_v.at[pl.ds(c * ch, ch)]], rows_v.at[c], gsem.at[c])
        for c in range(nch):
            b = c % nbuf
            gathers[c].wait()
            stores[c] = pltpu.async_copy(
                rows_v.at[b], out_hbm.at[pl.ds(base + c * ch, ch)], ssem.at[b])
            nxt = c + nbuf
            if nxt < nch:
                stores[c].wait()
                gathers[nxt] = pltpu.async_copy(
                    table_hbm.at[idx_v.at[pl.ds(nxt * ch, ch)]], rows_v.at[b],
                    gsem.at[b])
        for c in range(max(0, nch - nbuf), nch):
            if stores[c] is not None:
                stores[c].wait()

    return k(table, idx)


def kernel(x, embed):
    shape = x.shape
    d = shape[-1]
    xf = x.reshape(-1, d)
    n = xf.shape[0]
    idx = _argmin_indices(xf, embed + embed, 0, n // _BN)
    quantize = _gather_rows(embed, idx)
    return (quantize.reshape(shape), idx.reshape(shape[:-1]))

# --- scband reference (transcript-rebuilt; emitter-appended) ---
"""Pipeline reference for scband-simple-euclidean-codebook-35467839930394 (READ-ONLY COPY).

The authoritative reference and input builder live on the scoring server;
editing this copy changes nothing except your own understanding.
"""

import jax, jax.numpy as jnp
import numpy as np


def setup_inputs(seed: int = 0) -> dict:
    key = jax.random.key(seed)
    k1, k2 = jax.random.split(key)
    x = jax.random.normal(k1, (32, 576, 256), dtype=jnp.float32)
    # kaiming-uniform init for embed: bound = sqrt(6 / fan_in) with fan_in = dim
    bound = float(np.sqrt(6.0 / 256.0))
    embed = jax.random.uniform(k2, (1024, 256), dtype=jnp.float32, minval=-bound, maxval=bound)
    return {"x": x, "embed": embed}


def reference(x, embed):
    shape = x.shape
    xf = x.reshape(-1, shape[-1])  # (N, d)
    et = embed.T  # (d, K)
    dist = -(jnp.sum(xf * xf, axis=1, keepdims=True) - 2.0 * (xf @ et) + jnp.sum(et * et, axis=0, keepdims=True))
    embed_ind_flat = jnp.argmax(dist, axis=-1)
    embed_ind = embed_ind_flat.reshape(shape[:-1])
    quantize = jnp.take(embed, embed_ind, axis=0)
    return (quantize, embed_ind)

if __name__ == "__main__":
    import jax
    _d = setup_inputs()
    print(jax.jit(kernel)(*tuple(_d.values())))

</pallas_src>

<mosaic_0001>
#map = affine_map<(d0, d1) -> (0, 0)>
#map1 = affine_map<(d0, d1) -> (0)>
module attributes {stable_mosaic.version = 14 : i64} {
  func.func @k(%arg0: i32, %arg1: i32, %arg2: memref<1024x256xf32, #tpu.memory_space<hbm>>, %arg3: memref<18432xi32, #tpu.memory_space<hbm>>, %arg4: memref<18432x256xf32, #tpu.memory_space<hbm>>, %arg5: memref<576xi32, #tpu.memory_space<vmem>>, %arg6: memref<3x144x256xf32, #tpu.memory_space<vmem>>, %arg7: memref<3x!tpu.dma_semaphore, #tpu.memory_space<semaphore_mem>>, %arg8: memref<3x!tpu.dma_semaphore, #tpu.memory_space<semaphore_mem>>) attributes {dimension_semantics = [#tpu.dimension_semantics<core_parallel>, #tpu.dimension_semantics<subcore_parallel>], iteration_bounds = array<i64: 2, 16>, scalar_prefetch = 0 : i64, scratch_operands = 4 : i64, tpu.core_type = #tpu.core_type<sc_vector_subcore>, window_params = [{transform_indices = #map}, {transform_indices = #map1}, {transform_indices = #map}]} {
    %mul3A = arith.constant 2 : i32
    %mul3A_0 = arith.muli %arg1, %mul3A : i32
    %add3A = arith.addi %mul3A_0, %arg0 : i32
    %mul3A_1 = arith.constant 576 : i32
    %mul3A_2 = arith.muli %add3A, %mul3A_1 : i32
    "tpu.region"() ({
      %run_scoped3A = tpu.sem_alloc : memref<!tpu.dma_semaphore, #tpu.memory_space<semaphore_mem>>
      %dma_start3A_241 = tpu.memref_slice %arg3[%mul3A_2] : memref<18432xi32, #tpu.memory_space<hbm>> -> memref<576xi32, #tpu.memory_space<hbm>>
      %dma_start3A_242 = tpu.memref_slice %arg3[%mul3A_2] : memref<18432xi32, #tpu.memory_space<hbm>> -> memref<576xi32, #tpu.memory_space<hbm>>
      tpu.enqueue_dma source(%dma_start3A_242 : memref<576xi32, #tpu.memory_space<hbm>>) target(%arg5 : memref<576xi32, #tpu.memory_space<vmem>>) target_semaphore(%run_scoped3A : memref<!tpu.dma_semaphore, #tpu.memory_space<semaphore_mem>>)
      %dma_wait3A_243 = tpu.memref_slice %arg3[%mul3A_2] : memref<18432xi32, #tpu.memory_space<hbm>> -> memref<576xi32, #tpu.memory_space<hbm>>
      %dma_wait3A_244 = tpu.memref_slice %arg3[%mul3A_2] : memref<18432xi32, #tpu.memory_space<hbm>> -> memref<576xi32, #tpu.memory_space<hbm>>
      tpu.wait_dma2 semaphore(%run_scoped3A : memref<!tpu.dma_semaphore, #tpu.memory_space<semaphore_mem>>) src(%dma_wait3A_244 : memref<576xi32, #tpu.memory_space<hbm>>) dst(%arg5 : memref<576xi32, #tpu.memory_space<vmem>>)
      tpu.yield
    }) : () -> ()
    %dma_start3A = arith.constant 0 : i32
    %dma_start3A_3 = arith.constant 0 : i32
    %dma_start3A_4 = arith.constant 0 : i32
    %dma_start3A_5 = arith.constant 0 : i32
    %dma_start3A_6 = tpu.memref_slice %arg6[%dma_start3A, %dma_start3A_4, %dma_start3A_5] : memref<3x144x256xf32, #tpu.memory_space<vmem>> -> memref<1x144x256xf32, #tpu.memory_space<vmem>>
    %dma_start3A_7 = tpu.memref_squeeze %dma_start3A_6 : memref<1x144x256xf32, #tpu.memory_space<vmem>> -> memref<144x256xf32, #tpu.memory_space<vmem>>
    %dma_start3A_8 = arith.constant 0 : i32
    %dma_start3A_9 = tpu.memref_slice %arg5[%dma_start3A_8] : memref<576xi32, #tpu.memory_space<vmem>> -> memref<144xi32, #tpu.memory_space<vmem>>
    %dma_start3A_10 = arith.constant 0 : i32
    %dma_start3A_11 = arith.constant 0 : i32
    %dma_start3A_12 = tpu.memref_slice %arg2[%dma_start3A_10, %dma_start3A_11] : memref<1024x256xf32, #tpu.memory_space<hbm>> -> memref<1024x256xf32, #tpu.memory_space<hbm>>
    %dma_start3A_13 = tpu.memref_slice %arg7[%dma_start3A_3] : memref<3x!tpu.dma_semaphore, #tpu.memory_space<semaphore_mem>> -> memref<1x!tpu.dma_semaphore, #tpu.memory_space<semaphore_mem>>
    %dma_start3A_14 = tpu.memref_squeeze %dma_start3A_13 : memref<1x!tpu.dma_semaphore, #tpu.memory_space<semaphore_mem>> -> memref<!tpu.dma_semaphore, #tpu.memory_space<semaphore_mem>>
    tpu.enqueue_indirect_dma source(%dma_start3A_12 : memref<1024x256xf32, #tpu.memory_space<hbm>>) target(%dma_start3A_7 : memref<144x256xf32, #tpu.memory_space<vmem>>) offsets(%dma_start3A_9 : memref<144xi32, #tpu.memory_space<vmem>>) semaphore(%dma_start3A_14 : memref<!tpu.dma_semaphore, #tpu.memory_space<semaphore_mem>>)
    %dma_start3A_15 = arith.constant 1 : i32
    %dma_start3A_16 = arith.constant 1 : i32
    %dma_start3A_17 = arith.constant 0 : i32
    %dma_start3A_18 = arith.constant 0 : i32
    %dma_start3A_19 = tpu.memref_slice %arg6[%dma_start3A_15, %dma_start3A_17, %dma_start3A_18] : memref<3x144x256xf32, #tpu.memory_space<vmem>> -> memref<1x144x256xf32, #tpu.memory_space<vmem>>
    %dma_start3A_20 = tpu.memref_squeeze %dma_start3A_19 : memref<1x144x256xf32, #tpu.memory_space<vmem>> -> memref<144x256xf32, #tpu.memory_space<vmem>>
    %dma_start3A_21 = arith.constant 144 : i32
    %dma_start3A_22 = tpu.memref_slice %arg5[%dma_start3A_21] : memref<576xi32, #tpu.memory_space<vmem>> -> memref<144xi32, #tpu.memory_space<vmem>>
    %dma_start3A_23 = arith.constant 0 : i32
    %dma_start3A_24 = arith.constant 0 : i32
    %dma_start3A_25 = tpu.memref_slice %arg2[%dma_start3A_23, %dma_start3A_24] : memref<1024x256xf32, #tpu.memory_space<hbm>> -> memref<1024x256xf32, #tpu.memory_space<hbm>>
    %dma_start3A_26 = tpu.memref_slice %arg7[%dma_start3A_16] : memref<3x!tpu.dma_semaphore, #tpu.memory_space<semaphore_mem>> -> memref<1x!tpu.dma_semaphore, #tpu.memory_space<semaphore_mem>>
    %dma_start3A_27 = tpu.memref_squeeze %dma_start3A_26 : memref<1x!tpu.dma_semaphore, #tpu.memory_space<semaphore_mem>> -> memref<!tpu.dma_semaphore, #tpu.memory_space<semaphore_mem>>
    tpu.enqueue_indirect_dma source(%dma_start3A_25 : memref<1024x256xf32, #tpu.memory_space<hbm>>) target(%dma_start3A_20 : memref<144x256xf32, #tpu.memory_space<vmem>>) offsets(%dma_start3A_22 : memref<144xi32, #tpu.memory_space<vmem>>) semaphore(%dma_start3A_27 : memref<!tpu.dma_semaphore, #tpu.memory_space<semaphore_mem>>)
    %dma_start3A_28 = arith.constant 2 : i32
    %dma_start3A_29 = arith.constant 2 : i32
    %dma_start3A_30 = arith.constant 0 : i32
    %dma_start3A_31 = arith.constant 0 : i32
    %dma_start3A_32 = tpu.memref_slice %arg6[%dma_start3A_28, %dma_start3A_30, %dma_start3A_31] : memref<3x144x256xf32, #tpu.memory_space<vmem>> -> memref<1x144x256xf32, #tpu.memory_space<vmem>>
    %dma_start3A_33 = tpu.memref_squeeze %dma_start3A_32 : memref<1x144x256xf32, #tpu.memory_space<vmem>> -> memref<144x256xf32, #tpu.memory_space<vmem>>
    %dma_start3A_34 = arith.constant 288 : i32
    %dma_start3A_35 = tpu.memref_slice %arg5[%dma_start3A_34] : memref<576xi32, #tpu.memory_space<vmem>> -> memref<144xi32, #tpu.memory_space<vmem>>
    %dma_start3A_36 = arith.constant 0 : i32
    %dma_start3A_37 = arith.constant 0 : i32
    %dma_start3A_38 = tpu.memref_slice %arg2[%dma_start3A_36, %dma_start3A_37] : memref<1024x256xf32, #tpu.memory_space<hbm>> -> memref<1024x256xf32, #tpu.memory_space<hbm>>
    %dma_start3A_39 = tpu.memref_slice %arg7[%dma_start3A_29] : memref<3x!tpu.dma_semaphore, #tpu.memory_space<semaphore_mem>> -> memref<1x!tpu.dma_semaphore, #tpu.memory_space<semaphore_mem>>
    %dma_start3A_40 = tpu.memref_squeeze %dma_start3A_39 : memref<1x!tpu.dma_semaphore, #tpu.memory_space<semaphore_mem>> -> memref<!tpu.dma_semaphore, #tpu.memory_space<semaphore_mem>>
    tpu.enqueue_indirect_dma source(%dma_start3A_38 : memref<1024x256xf32, #tpu.memory_space<hbm>>) target(%dma_start3A_33 : memref<144x256xf32, #tpu.memory_space<vmem>>) offsets(%dma_start3A_35 : memref<144xi32, #tpu.memory_space<vmem>>) semaphore(%dma_start3A_40 : memref<!tpu.dma_semaphore, #tpu.memory_space<semaphore_mem>>)
    %dma_wait3A = arith.constant 0 : i32
    %dma_wait3A_41 = arith.constant 0 : i32
    %dma_wait3A_42 = arith.constant 0 : i32
    %dma_wait3A_43 = arith.constant 0 : i32
    %dma_wait3A_44 = tpu.memref_slice %arg6[%dma_wait3A, %dma_wait3A_42, %dma_wait3A_43] : memref<3x144x256xf32, #tpu.memory_space<vmem>> -> memref<1x144x256xf32, #tpu.memory_space<vmem>>
    %dma_wait3A_45 = tpu.memref_squeeze %dma_wait3A_44 : memref<1x144x256xf32, #tpu.memory_space<vmem>> -> memref<144x256xf32, #tpu.memory_space<vmem>>
    %dma_wait3A_46 = arith.constant 0 : i32
    %dma_wait3A_47 = tpu.memref_slice %arg5[%dma_wait3A_46] : memref<576xi32, #tpu.memory_space<vmem>> -> memref<144xi32, #tpu.memory_space<vmem>>
    %dma_wait3A_48 = arith.constant 0 : i32
    %dma_wait3A_49 = arith.constant 0 : i32
    %dma_wait3A_50 = tpu.memref_slice %arg2[%dma_wait3A_48, %dma_wait3A_49] : memref<1024x256xf32, #tpu.memory_space<hbm>> -> memref<1024x256xf32, #tpu.memory_space<hbm>>
    %dma_wait3A_51 = tpu.memref_slice %arg7[%dma_wait3A_41] : memref<3x!tpu.dma_semaphore, #tpu.memory_space<semaphore_mem>> -> memref<1x!tpu.dma_semaphore, #tpu.memory_space<semaphore_mem>>
    %dma_wait3A_52 = tpu.memref_squeeze %dma_wait3A_51 : memref<1x!tpu.dma_semaphore, #tpu.memory_space<semaphore_mem>> -> memref<!tpu.dma_semaphore, #tpu.memory_space<semaphore_mem>>
    tpu.wait_indirect_dma semaphore(%dma_wait3A_52 : memref<!tpu.dma_semaphore, #tpu.memory_space<semaphore_mem>>) src(%dma_wait3A_50 : memref<1024x256xf32, #tpu.memory_space<hbm>>) dst(%dma_wait3A_45 : memref<144x256xf32, #tpu.memory_space<vmem>>)
    %add3A_53 = arith.constant 0 : i32
    %add3A_54 = arith.addi %mul3A_2, %add3A_53 : i32
    %dma_start3A_55 = arith.constant 0 : i32
    %dma_start3A_56 = arith.constant 0 : i32
    %dma_start3A_57 = arith.constant 0 : i32
    %dma_start3A_58 = arith.constant 0 : i32
    %dma_start3A_59 = tpu.memref_slice %arg6[%dma_start3A_55, %dma_start3A_57, %dma_start3A_58] : memref<3x144x256xf32, #tpu.memory_space<vmem>> -> memref<1x144x256xf32, #tpu.memory_space<vmem>>
    %dma_start3A_60 = tpu.memref_squeeze %dma_start3A_59 : memref<1x144x256xf32, #tpu.memory_space<vmem>> -> memref<144x256xf32, #tpu.memory_space<vmem>>
    %dma_start3A_61 = arith.constant 0 : i32
    %dma_start3A_62 = tpu.memref_slice %arg4[%add3A_54, %dma_start3A_61] : memref<18432x256xf32, #tpu.memory_space<hbm>> -> memref<144x256xf32, #tpu.memory_space<hbm>>
    %dma_start3A_63 = tpu.memref_slice %arg8[%dma_start3A_56] : memref<3x!tpu.dma_semaphore, #tpu.memory_space<semaphore_mem>> -> memref<1x!tpu.dma_semaphore, #tpu.memory_space<semaphore_mem>>
    %dma_start3A_64 = tpu.memref_squeeze %dma_start3A_63 : memref<1x!tpu.dma_semaphore, #tpu.memory_space<semaphore_mem>> -> memref<!tpu.dma_semaphore, #tpu.memory_space<semaphore_mem>>
    %dma_start3A_65 = arith.constant 0 : i32
    %dma_start3A_66 = tpu.memref_slice %arg4[%add3A_54, %dma_start3A_65] : memref<18432x256xf32, #tpu.memory_space<hbm>> -> memref<144x256xf32, #tpu.memory_space<hbm>>
    %dma_start3A_67 = arith.constant 0 : i32
    %dma_start3A_68 = arith.constant 0 : i32
    %dma_start3A_69 = tpu.memref_slice %arg6[%dma_start3A_55, %dma_start3A_67, %dma_start3A_68] : memref<3x144x256xf32, #tpu.memory_space<vmem>> -> memref<1x144x256xf32, #tpu.memory_space<vmem>>
    %dma_start3A_70 = tpu.memref_squeeze %dma_start3A_69 : memref<1x144x256xf32, #tpu.memory_space<vmem>> -> memref<144x256xf32, #tpu.memory_space<vmem>>
    tpu.enqueue_dma source(%dma_start3A_70 : memref<144x256xf32, #tpu.memory_space<vmem>>) target(%dma_start3A_66 : memref<144x256xf32, #tpu.memory_space<hbm>>) target_semaphore(%dma_start3A_64 : memref<!tpu.dma_semaphore, #tpu.memory_space<semaphore_mem>>)
    %dma_wait3A_71 = arith.constant 0 : i32
    %dma_wait3A_72 = arith.constant 0 : i32
    %dma_wait3A_73 = arith.constant 0 : i32
    %dma_wait3A_74 = arith.constant 0 : i32
    %dma_wait3A_75 = tpu.memref_slice %arg6[%dma_wait3A_71, %dma_wait3A_73, %dma_wait3A_74] : memref<3x144x256xf32, #tpu.memory_space<vmem>> -> memref<1x144x256xf32, #tpu.memory_space<vmem>>
    %dma_wait3A_76 = tpu.memref_squeeze %dma_wait3A_75 : memref<1x144x256xf32, #tpu.memory_space<vmem>> -> memref<144x256xf32, #tpu.memory_space<vmem>>
    %dma_wait3A_77 = arith.constant 0 : i32
    %dma_wait3A_78 = tpu.memref_slice %arg4[%add3A_54, %dma_wait3A_77] : memref<18432x256xf32, #tpu.memory_space<hbm>> -> memref<144x256xf32, #tpu.memory_space<hbm>>
    %dma_wait3A_79 = tpu.memref_slice %arg8[%dma_wait3A_72] : memref<3x!tpu.dma_semaphore, #tpu.memory_space<semaphore_mem>> -> memref<1x!tpu.dma_semaphore, #tpu.memory_space<semaphore_mem>>
    %dma_wait3A_80 = tpu.memref_squeeze %dma_wait3A_79 : memref<1x!tpu.dma_semaphore, #tpu.memory_space<semaphore_mem>> -> memref<!tpu.dma_semaphore, #tpu.memory_space<semaphore_mem>>
    %dma_wait3A_81 = arith.constant 0 : i32
    %dma_wait3A_82 = tpu.memref_slice %arg4[%add3A_54, %dma_wait3A_81] : memref<18432x256xf32, #tpu.memory_space<hbm>> -> memref<144x256xf32, #tpu.memory_space<hbm>>
    %dma_wait3A_83 = arith.constant 0 : i32
    %dma_wait3A_84 = arith.constant 0 : i32
    %dma_wait3A_85 = tpu.memref_slice %arg6[%dma_wait3A_71, %dma_wait3A_83, %dma_wait3A_84] : memref<3x144x256xf32, #tpu.memory_space<vmem>> -> memref<1x144x256xf32, #tpu.memory_space<vmem>>
    %dma_wait3A_86 = tpu.memref_squeeze %dma_wait3A_85 : memref<1x144x256xf32, #tpu.memory_space<vmem>> -> memref<144x256xf32, #tpu.memory_space<vmem>>
    tpu.wait_dma2 semaphore(%dma_wait3A_80 : memref<!tpu.dma_semaphore, #tpu.memory_space<semaphore_mem>>) src(%dma_wait3A_86 : memref<144x256xf32, #tpu.memory_space<vmem>>) dst(%dma_wait3A_82 : memref<144x256xf32, #tpu.memory_space<hbm>>)
    %dma_start3A_87 = arith.constant 0 : i32
    %dma_start3A_88 = arith.constant 0 : i32
    %dma_start3A_89 = arith.constant 0 : i32
    %dma_start3A_90 = arith.constant 0 : i32
    %dma_start3A_91 = tpu.memref_slice %arg6[%dma_start3A_87, %dma_start3A_89, %dma_start3A_90] : memref<3x144x256xf32, #tpu.memory_space<vmem>> -> memref<1x144x256xf32, #tpu.memory_space<vmem>>
    %dma_start3A_92 = tpu.memref_squeeze %dma_start3A_91 : memref<1x144x256xf32, #tpu.memory_space<vmem>> -> memref<144x256xf32, #tpu.memory_space<vmem>>
    %dma_start3A_93 = arith.constant 432 : i32
    %dma_start3A_94 = tpu.memref_slice %arg5[%dma_start3A_93] : memref<576xi32, #tpu.memory_space<vmem>> -> memref<144xi32, #tpu.memory_space<vmem>>
    %dma_start3A_95 = arith.constant 0 : i32
    %dma_start3A_96 = arith.constant 0 : i32
    %dma_start3A_97 = tpu.memref_slice %arg2[%dma_start3A_95, %dma_start3A_96] : memref<1024x256xf32, #tpu.memory_space<hbm>> -> memref<1024x256xf32, #tpu.memory_space<hbm>>
    %dma_start3A_98 = tpu.memref_slice %arg7[%dma_start3A_88] : memref<3x!tpu.dma_semaphore, #tpu.memory_space<semaphore_mem>> -> memref<1x!tpu.dma_semaphore, #tpu.memory_space<semaphore_mem>>
    %dma_start3A_99 = tpu.memref_squeeze %dma_start3A_98 : memref<1x!tpu.dma_semaphore, #tpu.memory_space<semaphore_mem>> -> memref<!tpu.dma_semaphore, #tpu.memory_space<semaphore_mem>>
    tpu.enqueue_indirect_dma source(%dma_start3A_97 : memref<1024x256xf32, #tpu.memory_space<hbm>>) target(%dma_start3A_92 : memref<144x256xf32, #tpu.memory_space<vmem>>) offsets(%dma_start3A_94 : memref<144xi32, #tpu.memory_space<vmem>>) semaphore(%dma_start3A_99 : memref<!tpu.dma_semaphore, #tpu.memory_space<semaphore_mem>>)
    %dma_wait3A_100 = arith.constant 1 : i32
    %dma_wait3A_101 = arith.constant 1 : i32
    %dma_wait3A_102 = arith.constant 0 : i32
    %dma_wait3A_103 = arith.constant 0 : i32
    %dma_wait3A_104 = tpu.memref_slice %arg6[%dma_wait3A_100, %dma_wait3A_102, %dma_wait3A_103] : memref<3x144x256xf32, #tpu.memory_space<vmem>> -> memref<1x144x256xf32, #tpu.memory_space<vmem>>
    %dma_wait3A_105 = tpu.memref_squeeze %dma_wait3A_104 : memref<1x144x256xf32, #tpu.memory_space<vmem>> -> memref<144x256xf32, #tpu.memory_space<vmem>>
    %dma_wait3A_106 = arith.constant 144 : i32
    %dma_wait3A_107 = tpu.memref_slice %arg5[%dma_wait3A_106] : memref<576xi32, #tpu.memory_space<vmem>> -> memref<144xi32, #tpu.memory_space<vmem>>
    %dma_wait3A_108 = arith.constant 0 : i32
    %dma_wait3A_109 = arith.constant 0 : i32
    %dma_wait3A_110 = tpu.memref_slice %arg2[%dma_wait3A_108, %dma_wait3A_109] : memref<1024x256xf32, #tpu.memory_space<hbm>> -> memref<1024x256xf32, #tpu.memory_space<hbm>>
    %dma_wait3A_111 = tpu.memref_slice %arg7[%dma_wait3A_101] : memref<3x!tpu.dma_semaphore, #tpu.memory_space<semaphore_mem>> -> memref<1x!tpu.dma_semaphore, #tpu.memory_space<semaphore_mem>>
    %dma_wait3A_112 = tpu.memref_squeeze %dma_wait3A_111 : memref<1x!tpu.dma_semaphore, #tpu.memory_space<semaphore_mem>> -> memref<!tpu.dma_semaphore, #tpu.memory_space<semaphore_mem>>
    tpu.wait_indirect_dma semaphore(%dma_wait3A_112 : memref<!tpu.dma_semaphore, #tpu.memory_space<semaphore_mem>>) src(%dma_wait3A_110 : memref<1024x256xf32, #tpu.memory_space<hbm>>) dst(%dma_wait3A_105 : memref<144x256xf32, #tpu.memory_space<vmem>>)
    %add3A_113 = arith.constant 144 : i32
    %add3A_114 = arith.addi %mul3A_2, %add3A_113 : i32
    %dma_start3A_115 = arith.constant 1 : i32
    %dma_start3A_116 = arith.constant 1 : i32
    %dma_start3A_117 = arith.constant 0 : i32
    %dma_start3A_118 = arith.constant 0 : i32
    %dma_start3A_119 = tpu.memref_slice %arg6[%dma_start3A_115, %dma_start3A_117, %dma_start3A_118] : memref<3x144x256xf32, #tpu.memory_space<vmem>> -> memref<1x144x256xf32, #tpu.memory_space<vmem>>
    %dma_start3A_120 = tpu.memref_squeeze %dma_start3A_119 : memref<1x144x256xf32, #tpu.memory_space<vmem>> -> memref<144x256xf32, #tpu.memory_space<vmem>>
    %dma_start3A_121 = arith.constant 0 : i32
    %dma_start3A_122 = tpu.memref_slice %arg4[%add3A_114, %dma_start3A_121] : memref<18432x256xf32, #tpu.memory_space<hbm>> -> memref<144x256xf32, #tpu.memory_space<hbm>>
    %dma_start3A_123 = tpu.memref_slice %arg8[%dma_start3A_116] : memref<3x!tpu.dma_semaphore, #tpu.memory_space<semaphore_mem>> -> memref<1x!tpu.dma_semaphore, #tpu.memory_space<semaphore_mem>>
    %dma_start3A_124 = tpu.memref_squeeze %dma_start3A_123 : memref<1x!tpu.dma_semaphore, #tpu.memory_space<semaphore_mem>> -> memref<!tpu.dma_semaphore, #tpu.memory_space<semaphore_mem>>
    %dma_start3A_125 = arith.constant 0 : i32
    %dma_start3A_126 = tpu.memref_slice %arg4[%add3A_114, %dma_start3A_125] : memref<18432x256xf32, #tpu.memory_space<hbm>> -> memref<144x256xf32, #tpu.memory_space<hbm>>
    %dma_start3A_127 = arith.constant 0 : i32
    %dma_start3A_128 = arith.constant 0 : i32
    %dma_start3A_129 = tpu.memref_slice %arg6[%dma_start3A_115, %dma_start3A_127, %dma_start3A_128] : memref<3x144x256xf32, #tpu.memory_space<vmem>> -> memref<1x144x256xf32, #tpu.memory_space<vmem>>
    %dma_start3A_130 = tpu.memref_squeeze %dma_start3A_129 : memref<1x144x256xf32, #tpu.memory_space<vmem>> -> memref<144x256xf32, #tpu.memory_space<vmem>>
    tpu.enqueue_dma source(%dma_start3A_130 : memref<144x256xf32, #tpu.memory_space<vmem>>) target(%dma_start3A_126 : memref<144x256xf32, #tpu.memory_space<hbm>>) target_semaphore(%dma_start3A_124 : memref<!tpu.dma_semaphore, #tpu.memory_space<semaphore_mem>>)
    %dma_wait3A_131 = arith.constant 2 : i32
    %dma_wait3A_132 = arith.constant 2 : i32
    %dma_wait3A_133 = arith.constant 0 : i32
    %dma_wait3A_134 = arith.constant 0 : i32
    %dma_wait3A_135 = tpu.memref_slice %arg6[%dma_wait3A_131, %dma_wait3A_133, %dma_wait3A_134] : memref<3x144x256xf32, #tpu.memory_space<vmem>> -> memref<1x144x256xf32, #tpu.memory_space<vmem>>
    %dma_wait3A_136 = tpu.memref_squeeze %dma_wait3A_135 : memref<1x144x256xf32, #tpu.memory_space<vmem>> -> memref<144x256xf32, #tpu.memory_space<vmem>>
    %dma_wait3A_137 = arith.constant 288 : i32
    %dma_wait3A_138 = tpu.memref_slice %arg5[%dma_wait3A_137] : memref<576xi32, #tpu.memory_space<vmem>> -> memref<144xi32, #tpu.memory_space<vmem>>
    %dma_wait3A_139 = arith.constant 0 : i32
    %dma_wait3A_140 = arith.constant 0 : i32
    %dma_wait3A_141 = tpu.memref_slice %arg2[%dma_wait3A_139, %dma_wait3A_140] : memref<1024x256xf32, #tpu.memory_space<hbm>> -> memref<1024x256xf32, #tpu.memory_space<hbm>>
    %dma_wait3A_142 = tpu.memref_slice %arg7[%dma_wait3A_132] : memref<3x!tpu.dma_semaphore, #tpu.memory_space<semaphore_mem>> -> memref<1x!tpu.dma_semaphore, #tpu.memory_space<semaphore_mem>>
    %dma_wait3A_143 = tpu.memref_squeeze %dma_wait3A_142 : memref<1x!tpu.dma_semaphore, #tpu.memory_space<semaphore_mem>> -> memref<!tpu.dma_semaphore, #tpu.memory_space<semaphore_mem>>
    tpu.wait_indirect_dma semaphore(%dma_wait3A_143 : memref<!tpu.dma_semaphore, #tpu.memory_space<semaphore_mem>>) src(%dma_wait3A_141 : memref<1024x256xf32, #tpu.memory_space<hbm>>) dst(%dma_wait3A_136 : memref<144x256xf32, #tpu.memory_space<vmem>>)
    %add3A_144 = arith.constant 288 : i32
    %add3A_145 = arith.addi %mul3A_2, %add3A_144 : i32
    %dma_start3A_146 = arith.constant 2 : i32
    %dma_start3A_147 = arith.constant 2 : i32
    %dma_start3A_148 = arith.constant 0 : i32
    %dma_start3A_149 = arith.constant 0 : i32
    %dma_start3A_150 = tpu.memref_slice %arg6[%dma_start3A_146, %dma_start3A_148, %dma_start3A_149] : memref<3x144x256xf32, #tpu.memory_space<vmem>> -> memref<1x144x256xf32, #tpu.memory_space<vmem>>
    %dma_start3A_151 = tpu.memref_squeeze %dma_start3A_150 : memref<1x144x256xf32, #tpu.memory_space<vmem>> -> memref<144x256xf32, #tpu.memory_space<vmem>>
    %dma_start3A_152 = arith.constant 0 : i32
    %dma_start3A_153 = tpu.memref_slice %arg4[%add3A_145, %dma_start3A_152] : memref<18432x256xf32, #tpu.memory_space<hbm>> -> memref<144x256xf32, #tpu.memory_space<hbm>>
    %dma_start3A_154 = tpu.memref_slice %arg8[%dma_start3A_147] : memref<3x!tpu.dma_semaphore, #tpu.memory_space<semaphore_mem>> -> memref<1x!tpu.dma_semaphore, #tpu.memory_space<semaphore_mem>>
    %dma_start3A_155 = tpu.memref_squeeze %dma_start3A_154 : memref<1x!tpu.dma_semaphore, #tpu.memory_space<semaphore_mem>> -> memref<!tpu.dma_semaphore, #tpu.memory_space<semaphore_mem>>
    %dma_start3A_156 = arith.constant 0 : i32
    %dma_start3A_157 = tpu.memref_slice %arg4[%add3A_145, %dma_start3A_156] : memref<18432x256xf32, #tpu.memory_space<hbm>> -> memref<144x256xf32, #tpu.memory_space<hbm>>
    %dma_start3A_158 = arith.constant 0 : i32
    %dma_start3A_159 = arith.constant 0 : i32
    %dma_start3A_160 = tpu.memref_slice %arg6[%dma_start3A_146, %dma_start3A_158, %dma_start3A_159] : memref<3x144x256xf32, #tpu.memory_space<vmem>> -> memref<1x144x256xf32, #tpu.memory_space<vmem>>
    %dma_start3A_161 = tpu.memref_squeeze %dma_start3A_160 : memref<1x144x256xf32, #tpu.memory_space<vmem>> -> memref<144x256xf32, #tpu.memory_space<vmem>>
    tpu.enqueue_dma source(%dma_start3A_161 : memref<144x256xf32, #tpu.memory_space<vmem>>) target(%dma_start3A_157 : memref<144x256xf32, #tpu.memory_space<hbm>>) target_semaphore(%dma_start3A_155 : memref<!tpu.dma_semaphore, #tpu.memory_space<semaphore_mem>>)
    %dma_wait3A_162 = arith.constant 0 : i32
    %dma_wait3A_163 = arith.constant 0 : i32
    %dma_wait3A_164 = arith.constant 0 : i32
    %dma_wait3A_165 = arith.constant 0 : i32
    %dma_wait3A_166 = tpu.memref_slice %arg6[%dma_wait3A_162, %dma_wait3A_164, %dma_wait3A_165] : memref<3x144x256xf32, #tpu.memory_space<vmem>> -> memref<1x144x256xf32, #tpu.memory_space<vmem>>
    %dma_wait3A_167 = tpu.memref_squeeze %dma_wait3A_166 : memref<1x144x256xf32, #tpu.memory_space<vmem>> -> memref<144x256xf32, #tpu.memory_space<vmem>>
    %dma_wait3A_168 = arith.constant 432 : i32
    %dma_wait3A_169 = tpu.memref_slice %arg5[%dma_wait3A_168] : memref<576xi32, #tpu.memory_space<vmem>> -> memref<144xi32, #tpu.memory_space<vmem>>
    %dma_wait3A_170 = arith.constant 0 : i32
    %dma_wait3A_171 = arith.constant 0 : i32
    %dma_wait3A_172 = tpu.memref_slice %arg2[%dma_wait3A_170, %dma_wait3A_171] : memref<1024x256xf32, #tpu.memory_space<hbm>> -> memref<1024x256xf32, #tpu.memory_space<hbm>>
    %dma_wait3A_173 = tpu.memref_slice %arg7[%dma_wait3A_163] : memref<3x!tpu.dma_semaphore, #tpu.memory_space<semaphore_mem>> -> memref<1x!tpu.dma_semaphore, #tpu.memory_space<semaphore_mem>>
    %dma_wait3A_174 = tpu.memref_squeeze %dma_wait3A_173 : memref<1x!tpu.dma_semaphore, #tpu.memory_space<semaphore_mem>> -> memref<!tpu.dma_semaphore, #tpu.memory_space<semaphore_mem>>
    tpu.wait_indirect_dma semaphore(%dma_wait3A_174 : memref<!tpu.dma_semaphore, #tpu.memory_space<semaphore_mem>>) src(%dma_wait3A_172 : memref<1024x256xf32, #tpu.memory_space<hbm>>) dst(%dma_wait3A_167 : memref<144x256xf32, #tpu.memory_space<vmem>>)
    %add3A_175 = arith.constant 432 : i32
    %add3A_176 = arith.addi %mul3A_2, %add3A_175 : i32
    %dma_start3A_177 = arith.constant 0 : i32
    %dma_start3A_178 = arith.constant 0 : i32
    %dma_start3A_179 = arith.constant 0 : i32
    %dma_start3A_180 = arith.constant 0 : i32
    %dma_start3A_181 = tpu.memref_slice %arg6[%dma_start3A_177, %dma_start3A_179, %dma_start3A_180] : memref<3x144x256xf32, #tpu.memory_space<vmem>> -> memref<1x144x256xf32, #tpu.memory_space<vmem>>
    %dma_start3A_182 = tpu.memref_squeeze %dma_start3A_181 : memref<1x144x256xf32, #tpu.memory_space<vmem>> -> memref<144x256xf32, #tpu.memory_space<vmem>>
    %dma_start3A_183 = arith.constant 0 : i32
    %dma_start3A_184 = tpu.memref_slice %arg4[%add3A_176, %dma_start3A_183] : memref<18432x256xf32, #tpu.memory_space<hbm>> -> memref<144x256xf32, #tpu.memory_space<hbm>>
    %dma_start3A_185 = tpu.memref_slice %arg8[%dma_start3A_178] : memref<3x!tpu.dma_semaphore, #tpu.memory_space<semaphore_mem>> -> memref<1x!tpu.dma_semaphore, #tpu.memory_space<semaphore_mem>>
    %dma_start3A_186 = tpu.memref_squeeze %dma_start3A_185 : memref<1x!tpu.dma_semaphore, #tpu.memory_space<semaphore_mem>> -> memref<!tpu.dma_semaphore, #tpu.memory_space<semaphore_mem>>
    %dma_start3A_187 = arith.constant 0 : i32
    %dma_start3A_188 = tpu.memref_slice %arg4[%add3A_176, %dma_start3A_187] : memref<18432x256xf32, #tpu.memory_space<hbm>> -> memref<144x256xf32, #tpu.memory_space<hbm>>
    %dma_start3A_189 = arith.constant 0 : i32
    %dma_start3A_190 = arith.constant 0 : i32
    %dma_start3A_191 = tpu.memref_slice %arg6[%dma_start3A_177, %dma_start3A_189, %dma_start3A_190] : memref<3x144x256xf32, #tpu.memory_space<vmem>> -> memref<1x144x256xf32, #tpu.memory_space<vmem>>
    %dma_start3A_192 = tpu.memref_squeeze %dma_start3A_191 : memref<1x144x256xf32, #tpu.memory_space<vmem>> -> memref<144x256xf32, #tpu.memory_space<vmem>>
    tpu.enqueue_dma source(%dma_start3A_192 : memref<144x256xf32, #tpu.memory_space<vmem>>) target(%dma_start3A_188 : memref<144x256xf32, #tpu.memory_space<hbm>>) target_semaphore(%dma_start3A_186 : memref<!tpu.dma_semaphore, #tpu.memory_space<semaphore_mem>>)
    %dma_wait3A_193 = arith.constant 1 : i32
    %dma_wait3A_194 = arith.constant 1 : i32
    %dma_wait3A_195 = arith.constant 0 : i32
    %dma_wait3A_196 = arith.constant 0 : i32
    %dma_wait3A_197 = tpu.memref_slice %arg6[%dma_wait3A_193, %dma_wait3A_195, %dma_wait3A_196] : memref<3x144x256xf32, #tpu.memory_space<vmem>> -> memref<1x144x256xf32, #tpu.memory_space<vmem>>
    %dma_wait3A_198 = tpu.memref_squeeze %dma_wait3A_197 : memref<1x144x256xf32, #tpu.memory_space<vmem>> -> memref<144x256xf32, #tpu.memory_space<vmem>>
    %dma_wait3A_199 = arith.constant 0 : i32
    %dma_wait3A_200 = tpu.memref_slice %arg4[%add3A_114, %dma_wait3A_199] : memref<18432x256xf32, #tpu.memory_space<hbm>> -> memref<144x256xf32, #tpu.memory_space<hbm>>
    %dma_wait3A_201 = tpu.memref_slice %arg8[%dma_wait3A_194] : memref<3x!tpu.dma_semaphore, #tpu.memory_space<semaphore_mem>> -> memref<1x!tpu.dma_semaphore, #tpu.memory_space<semaphore_mem>>
    %dma_wait3A_202 = tpu.memref_squeeze %dma_wait3A_201 : memref<1x!tpu.dma_semaphore, #tpu.memory_space<semaphore_mem>> -> memref<!tpu.dma_semaphore, #tpu.memory_space<semaphore_mem>>
    %dma_wait3A_203 = arith.constant 0 : i32
    %dma_wait3A_204 = tpu.memref_slice %arg4[%add3A_114, %dma_wait3A_203] : memref<18432x256xf32, #tpu.memory_space<hbm>> -> memref<144x256xf32, #tpu.memory_space<hbm>>
    %dma_wait3A_205 = arith.constant 0 : i32
    %dma_wait3A_206 = arith.constant 0 : i32
    %dma_wait3A_207 = tpu.memref_slice %arg6[%dma_wait3A_193, %dma_wait3A_205, %dma_wait3A_206] : memref<3x144x256xf32, #tpu.memory_space<vmem>> -> memref<1x144x256xf32, #tpu.memory_space<vmem>>
    %dma_wait3A_208 = tpu.memref_squeeze %dma_wait3A_207 : memref<1x144x256xf32, #tpu.memory_space<vmem>> -> memref<144x256xf32, #tpu.memory_space<vmem>>
    tpu.wait_dma2 semaphore(%dma_wait3A_202 : memref<!tpu.dma_semaphore, #tpu.memory_space<semaphore_mem>>) src(%dma_wait3A_208 : memref<144x256xf32, #tpu.memory_space<vmem>>) dst(%dma_wait3A_204 : memref<144x256xf32, #tpu.memory_space<hbm>>)
    %dma_wait3A_209 = arith.constant 2 : i32
    %dma_wait3A_210 = arith.constant 2 : i32
    %dma_wait3A_211 = arith.constant 0 : i32
    %dma_wait3A_212 = arith.constant 0 : i32
    %dma_wait3A_213 = tpu.memref_slice %arg6[%dma_wait3A_209, %dma_wait3A_211, %dma_wait3A_212] : memref<3x144x256xf32, #tpu.memory_space<vmem>> -> memref<1x144x256xf32, #tpu.memory_space<vmem>>
    %dma_wait3A_214 = tpu.memref_squeeze %dma_wait3A_213 : memref<1x144x256xf32, #tpu.memory_space<vmem>> -> memref<144x256xf32, #tpu.memory_space<vmem>>
    %dma_wait3A_215 = arith.constant 0 : i32
    %dma_wait3A_216 = tpu.memref_slice %arg4[%add3A_145, %dma_wait3A_215] : memref<18432x256xf32, #tpu.memory_space<hbm>> -> memref<144x256xf32, #tpu.memory_space<hbm>>
    %dma_wait3A_217 = tpu.memref_slice %arg8[%dma_wait3A_210] : memref<3x!tpu.dma_semaphore, #tpu.memory_space<semaphore_mem>> -> memref<1x!tpu.dma_semaphore, #tpu.memory_space<semaphore_mem>>
    %dma_wait3A_218 = tpu.memref_squeeze %dma_wait3A_217 : memref<1x!tpu.dma_semaphore, #tpu.memory_space<semaphore_mem>> -> memref<!tpu.dma_semaphore, #tpu.memory_space<semaphore_mem>>
    %dma_wait3A_219 = arith.constant 0 : i32
    %dma_wait3A_220 = tpu.memref_slice %arg4[%add3A_145, %dma_wait3A_219] : memref<18432x256xf32, #tpu.memory_space<hbm>> -> memref<144x256xf32, #tpu.memory_space<hbm>>
    %dma_wait3A_221 = arith.constant 0 : i32
    %dma_wait3A_222 = arith.constant 0 : i32
    %dma_wait3A_223 = tpu.memref_slice %arg6[%dma_wait3A_209, %dma_wait3A_221, %dma_wait3A_222] : memref<3x144x256xf32, #tpu.memory_space<vmem>> -> memref<1x144x256xf32, #tpu.memory_space<vmem>>
    %dma_wait3A_224 = tpu.memref_squeeze %dma_wait3A_223 : memref<1x144x256xf32, #tpu.memory_space<vmem>> -> memref<144x256xf32, #tpu.memory_space<vmem>>
    tpu.wait_dma2 semaphore(%dma_wait3A_218 : memref<!tpu.dma_semaphore, #tpu.memory_space<semaphore_mem>>) src(%dma_wait3A_224 : memref<144x256xf32, #tpu.memory_space<vmem>>) dst(%dma_wait3A_220 : memref<144x256xf32, #tpu.memory_space<hbm>>)
    %dma_wait3A_225 = arith.constant 0 : i32
    %dma_wait3A_226 = arith.constant 0 : i32
    %dma_wait3A_227 = arith.constant 0 : i32
    %dma_wait3A_228 = arith.constant 0 : i32
    %dma_wait3A_229 = tpu.memref_slice %arg6[%dma_wait3A_225, %dma_wait3A_227, %dma_wait3A_228] : memref<3x144x256xf32, #tpu.memory_space<vmem>> -> memref<1x144x256xf32, #tpu.memory_space<vmem>>
    %dma_wait3A_230 = tpu.memref_squeeze %dma_wait3A_229 : memref<1x144x256xf32, #tpu.memory_space<vmem>> -> memref<144x256xf32, #tpu.memory_space<vmem>>
    %dma_wait3A_231 = arith.constant 0 : i32
    %dma_wait3A_232 = tpu.memref_slice %arg4[%add3A_176, %dma_wait3A_231] : memref<18432x256xf32, #tpu.memory_space<hbm>> -> memref<144x256xf32, #tpu.memory_space<hbm>>
    %dma_wait3A_233 = tpu.memref_slice %arg8[%dma_wait3A_226] : memref<3x!tpu.dma_semaphore, #tpu.memory_space<semaphore_mem>> -> memref<1x!tpu.dma_semaphore, #tpu.memory_space<semaphore_mem>>
    %dma_wait3A_234 = tpu.memref_squeeze %dma_wait3A_233 : memref<1x!tpu.dma_semaphore, #tpu.memory_space<semaphore_mem>> -> memref<!tpu.dma_semaphore, #tpu.memory_space<semaphore_mem>>
    %dma_wait3A_235 = arith.constant 0 : i32
    %dma_wait3A_236 = tpu.memref_slice %arg4[%add3A_176, %dma_wait3A_235] : memref<18432x256xf32, #tpu.memory_space<hbm>> -> memref<144x256xf32, #tpu.memory_space<hbm>>
    %dma_wait3A_237 = arith.constant 0 : i32
    %dma_wait3A_238 = arith.constant 0 : i32
    %dma_wait3A_239 = tpu.memref_slice %arg6[%dma_wait3A_225, %dma_wait3A_237, %dma_wait3A_238] : memref<3x144x256xf32, #tpu.memory_space<vmem>> -> memref<1x144x256xf32, #tpu.memory_space<vmem>>
    %dma_wait3A_240 = tpu.memref_squeeze %dma_wait3A_239 : memref<1x144x256xf32, #tpu.memory_space<vmem>> -> memref<144x256xf32, #tpu.memory_space<vmem>>
    tpu.wait_dma2 semaphore(%dma_wait3A_234 : memref<!tpu.dma_semaphore, #tpu.memory_space<semaphore_mem>>) src(%dma_wait3A_240 : memref<144x256xf32, #tpu.memory_space<vmem>>) dst(%dma_wait3A_236 : memref<144x256xf32, #tpu.memory_space<hbm>>)
    return
  }
}

module attributes {stable_mosaic.version = 14 : i64} {
  func.func @_argmin_body(%arg0: i32, %arg1: memref<1024x256xf32, #tpu.memory_space<vmem>>, %arg2: memref<1024x256xf32, #tpu.memory_space<vmem>>, %arg3: memref<1x1x1024xi32, #tpu.memory_space<vmem>>, %arg4: memref<1024x1xf32, #tpu.memory_space<vmem>>) attributes {dimension_semantics = [#tpu.dimension_semantics<arbitrary>], iteration_bounds = array<i64: 18>, scalar_prefetch = 0 : i64, scratch_operands = 1 : i64, tpu.core_type = #tpu.core_type<tc>, window_params = [{transform_indices = @transform_0, window_bounds = array<i64: 1024, 256>}, {pipeline_mode = #tpu.pipeline_mode<synchronous>, transform_indices = @transform_1, window_bounds = array<i64: 1024, 256>}, {transform_indices = @transform_2, window_bounds = array<i64: 1, 1, 1024>}]} {
    %eq3A = arith.constant 0 : i32
    %eq3A_0 = arith.cmpi eq, %arg0, %eq3A : i32
    %convert_element_type3A = arith.extui %eq3A_0 : i1 to i32
    %cond3A = arith.constant 0 : i32
    %cond3A_1 = arith.cmpi ne, %convert_element_type3A, %cond3A : i32
    scf.if %cond3A_1 {
      %get3A_39 = arith.constant 0 : index
      %get3A_40 = arith.constant 0 : index
      %get3A_41 = vector.load %arg2[%get3A_39, %get3A_40] : memref<1024x256xf32, #tpu.memory_space<vmem>>, vector<1024x256xf32>
      %mul3A_42 = arith.mulf %get3A_41, %get3A_41 : vector<1024x256xf32>
      %reduce_sum3A_43 = arith.constant dense<0.000000e+00> : vector<1024xf32>
      %reduce_sum3A_44 = vector.multi_reduction <add>, %mul3A_42, %reduce_sum3A_43 [1] : vector<1024x256xf32> to vector<1024xf32>
      %broadcast_in_dim3A_45 = vector.shape_cast %reduce_sum3A_44 : vector<1024xf32> to vector<1024x1xf32>
      %mul3A_46 = arith.constant -2.500000e-01 : f32
      %mul3A_47 = vector.broadcast %mul3A_46 : f32 to vector<1024x1xf32>
      %mul3A_48 = arith.mulf %mul3A_47, %broadcast_in_dim3A_45 : vector<1024x1xf32>
      %swap3A_49 = arith.constant 0 : index
      %swap3A_50 = arith.constant 0 : index
      %swap3A_51 = vector.load %arg4[%swap3A_49, %swap3A_50] : memref<1024x1xf32, #tpu.memory_space<vmem>>, vector<1024x1xf32>
      tpu.vector_store %arg4[%swap3A_49, %swap3A_50], %mul3A_48 {strides = array<i32>} : memref<1024x1xf32, #tpu.memory_space<vmem>>, vector<1024x1xf32>,
    } else {
    }
    %get3A = arith.constant 0 : index
    %get3A_2 = arith.constant 0 : index
    %get3A_3 = vector.load %arg4[%get3A, %get3A_2] : memref<1024x1xf32, #tpu.memory_space<vmem>>, vector<1024x1xf32>
    %get3A_4 = arith.constant 0 : index
    %get3A_5 = arith.constant 0 : index
    %get3A_6 = vector.load %arg2[%get3A_4, %get3A_5] : memref<1024x256xf32, #tpu.memory_space<vmem>>, vector<1024x256xf32>
    %get3A_7 = arith.constant 0 : index
    %get3A_8 = arith.constant 0 : index
    %get3A_9 = vector.load %arg1[%get3A_7, %get3A_8] : memref<1024x256xf32, #tpu.memory_space<vmem>>, vector<512x256xf32>
    %dot_general3A = arith.constant dense<0.000000e+00> : vector<1024x512xf32>
    %dot_general3A_10 = tpu.matmul %get3A_6, %get3A_9, %dot_general3A {dimension_numbers = #tpu.dot_dimension_numbers<[1], [1], [0], [0], [0, 0, 1, 0], [], []>, transpose_lhs_hint = false} : vector<1024x256xf32>, vector<512x256xf32>, vector<1024x512xf32> -> vector<1024x512xf32>
    %mul3A = arith.mulf %get3A_9, %get3A_9 : vector<512x256xf32>
    %reduce_sum3A = arith.constant dense<0.000000e+00> : vector<512xf32>
    %reduce_sum3A_11 = vector.multi_reduction <add>, %mul3A, %reduce_sum3A [1] : vector<512x256xf32> to vector<512xf32>
    %broadcast_in_dim3A = vector.shape_cast %reduce_sum3A_11 : vector<512xf32> to vector<1x512xf32>
    %sub3A = vector.broadcast %broadcast_in_dim3A : vector<1x512xf32> to vector<1024x512xf32>
    %sub3A_12 = arith.subf %dot_general3A_10, %sub3A : vector<1024x512xf32>
    %add3A = vector.broadcast %get3A_3 : vector<1024x1xf32> to vector<1024x512xf32>
    %add3A_13 = arith.addf %sub3A_12, %add3A : vector<1024x512xf32>
    %argmax3A = tpu.reduce_index %add3A_13 {axis = 0 : i32, kind = #tpu.reduction_kind<arg_max>} : vector<1024x512xf32> -> vector<512xi32>
    %swap3A = arith.constant 0 : index
    %swap3A_14 = arith.constant 0 : index
    %swap3A_15 = arith.constant 0 : index
    %swap3A_16 = vector.load %arg3[%swap3A, %swap3A_14, %swap3A_15] : memref<1x1x1024xi32, #tpu.memory_space<vmem>>, vector<1x1x512xi32>
    %swap3A_17 = vector.shape_cast %swap3A_16 : vector<1x1x512xi32> to vector<512xi32>
    %swap3A_18 = vector.shape_cast %argmax3A : vector<512xi32> to vector<1x1x512xi32>
    tpu.vector_store %arg3[%swap3A, %swap3A_14, %swap3A_15], %swap3A_18 {strides = array<i32>} : memref<1x1x1024xi32, #tpu.memory_space<vmem>>, vector<1x1x512xi32>,
    %get3A_19 = arith.constant 512 : index
    %get3A_20 = arith.constant 0 : index
    %get3A_21 = vector.load %arg1[%get3A_19, %get3A_20] : memref<1024x256xf32, #tpu.memory_space<vmem>>, vector<512x256xf32>
    %dot_general3A_22 = arith.constant dense<0.000000e+00> : vector<1024x512xf32>
    %dot_general3A_23 = tpu.matmul %get3A_6, %get3A_21, %dot_general3A_22 {dimension_numbers = #tpu.dot_dimension_numbers<[1], [1], [0], [0], [0, 0, 1, 0], [], []>, transpose_lhs_hint = false} : vector<1024x256xf32>, vector<512x256xf32>, vector<1024x512xf32> -> vector<1024x512xf32>
    %mul3A_24 = arith.mulf %get3A_21, %get3A_21 : vector<512x256xf32>
    %reduce_sum3A_25 = arith.constant dense<0.000000e+00> : vector<512xf32>
    %reduce_sum3A_26 = vector.multi_reduction <add>, %mul3A_24, %reduce_sum3A_25 [1] : vector<512x256xf32> to vector<512xf32>
    %broadcast_in_dim3A_27 = vector.shape_cast %reduce_sum3A_26 : vector<512xf32> to vector<1x512xf32>
    %sub3A_28 = vector.broadcast %broadcast_in_dim3A_27 : vector<1x512xf32> to vector<1024x512xf32>
    %sub3A_29 = arith.subf %dot_general3A_23, %sub3A_28 : vector<1024x512xf32>
    %add3A_30 = vector.broadcast %get3A_3 : vector<1024x1xf32> to vector<1024x512xf32>
    %add3A_31 = arith.addf %sub3A_29, %add3A_30 : vector<1024x512xf32>
    %argmax3A_32 = tpu.reduce_index %add3A_31 {axis = 0 : i32, kind = #tpu.reduction_kind<arg_max>} : vector<1024x512xf32> -> vector<512xi32>
    %swap3A_33 = arith.constant 0 : index
    %swap3A_34 = arith.constant 0 : index
    %swap3A_35 = arith.constant 512 : index
    %swap3A_36 = vector.load %arg3[%swap3A_33, %swap3A_34, %swap3A_35] : memref<1x1x1024xi32, #tpu.memory_space<vmem>>, vector<1x1x512xi32>
    %swap3A_37 = vector.shape_cast %swap3A_36 : vector<1x1x512xi32> to vector<512xi32>
    %swap3A_38 = vector.shape_cast %argmax3A_32 : vector<512xi32> to vector<1x1x512xi32>
    tpu.vector_store %arg3[%swap3A_33, %swap3A_34, %swap3A_35], %swap3A_38 {strides = array<i32>} : memref<1x1x1024xi32, #tpu.memory_space<vmem>>, vector<1x1x512xi32>,
    return
  }
  func.func @transform_0(%arg0: i32) -> (i32, i32) {
    %add3A = arith.constant 0 : i32
    %add3A_0 = arith.addi %arg0, %add3A : i32
    %c0_i32 = arith.constant 0 : i32
    %c0_i32_1 = arith.constant 0 : i32
    return %add3A_0, %c0_i32 : i32, i32
  }
  func.func @transform_1(%arg0: i32) -> (i32, i32) {
    %c0_i32 = arith.constant 0 : i32
    %c0_i32_0 = arith.constant 0 : i32
    %c0_i32_1 = arith.constant 0 : i32
    return %c0_i32, %c0_i32_0 : i32, i32
  }
  func.func @transform_2(%arg0: i32) -> (i32, i32, i32) {
    %c0_i32 = arith.constant 0 : i32
    %c0_i32_0 = arith.constant 0 : i32
    %c0_i32_1 = arith.constant 0 : i32
    return %arg0, %c0_i32, %c0_i32_0 : i32, i32, i32
  }
}

</mosaic_0001>

<sc_bundles>
// kernel: kernel.4.cloned.1.call-start
scs
__scs_entry_jumppad:
0x0: {  	(pc) =	sbr.rel $0x88, $3  }
0x1: {  	(tag) =	ssettag $0x0;
	lr =	simm.s32 $0x1  }
0x2: {  	[smem:$0x3F9F] =	sst lr;
	_ =	strace $0xD0000000  }
0x3: {  	_ = 	snop  }
0x4: {  	_ = 	snop  }
0x5: {  	_ = 	snop  }
0x6: {  	_ = 	snop  }
0x7: {  	_ = 	snop  }
__scs_overlays_trampoline_lowered:
0x8: {  	[smem:$0x3FAE] =	sst s0  }
0x9: {  	[smem:$0x3FAF] =	sst s1  }
0xa: {  	[smem:$0x3FB0] =	sst s2  }
0xb: {  	[smem:$0x3FB1] =	sst s3  }
0xc: {  	[smem:$0x3FB2] =	sst s4  }
0xd: {  	[smem:$0x3FB3] =	sst s5  }
0xe: {  	[smem:$0x3FB4] =	sst s6  }
0xf: {  	[smem:$0x3FB5] =	sst s7  }
0x10: {  	[smem:$0x3FB6] =	sst s8  }
0x11: {  	[smem:$0x3FB7] =	sst s9;
	s0 =	simm.s32 @!p0 $0x0  }
0x12: {  	s1 =	sld [smem:$0x3F9D];
	s0 =	simm.s32 @p0 $0x1  }
0x13: {  	[smem:$0x3FB8] =	sst s0;
	s0 =	simm.s32 @!p1 $0x0  }
0x14: {  	s2 =	sld [smem:$0x3F9C];
	s0 =	simm.s32 @p1 $0x1  }
0x15: {  	[smem:$0x3FB9] =	sst s0;
	s0 =	simm.s32 @!p2 $0x0  }
0x16: {  	s3 =	sld [smem:$0x3FDB];
	s0 =	simm.s32 @p2 $0x1  }
0x17: {  	s4 =	simm.s32 $0x1BF5;
	[smem:$0x3FBB] =	sst s0  }
0x18: {  	s0 =	sld [smem:$0x3F9E];
	_ =	swait.ge [sflag:s4], $0x0  }
0x19: {  	s7 =	sld [smem:$0x3F9F]  }
0x1a: {  	s8 =	sadd.s32 $0xFFFFE003, lr  }
0x1b: {  	s9 =	sadd.s32 $0xFFFFFEF7, lr;
	s5 =	simm.s32 $0xFFFFFFFF;
	p2 =	slt.u32 s8, $0xFFFFF086  }
0x1c: {  	p1 =	slt.u32 s9, $0xF7A;
	s5 =	simm.s32 @!p2 $0x0  }
0x1d: {  	s5 =	simm.s32 @p1 $0x1;
	p0 =	seq.s32 s7, s2  }
0x1e: {  	s7 =	smul.u32 @!p0 $0xF7A, s2;
	p2 =	seq.s32 @!p0 s5, $0x0  }
0x1f: {  	s9 =	smul.u32 $0xF7A, s1;
	s8 =	simm.s32 @!p0 $0x1BF5;
	p2 =	por !p2, p0  }
0x20: {  	[sflag:s8] =	ssyncset.s32 @!p0 $0xFFFFF086;
	s6 =	sadd.s32 @!p0 s3, s7;
	s7 =	simm.s32 @!p0 $0x108  }
0x21: {  	s3 =	sadd.s32 s3, s9;
	s6 =	sadd.s32 @!p0 $0x88, s6;
	s7 =	simm.s32 @p2 $0x1082  }
0x22: {  	[simem:s7], [sflag:s8] =	dma.local @!p0 [hbm:s6], $0xF7A  }
0x23: {  	s9 =	sor.u32 $0xD0000000, s2;
	s6 =	simm.s32 $0x108;
	_ =	swait.ge @!p0 [sflag:s8], $0x0  }
0x24: {  	s3 =	sadd.s32 $0x88, s3;
	s6 =	simm.s32 @!p1 $0x1082;
	[sflag:s4] =	ssyncset.s32 $0xFFFFF086  }
0x25: {  	[simem:s6], [sflag:s4] =	dma.local [hbm:s3], $0xF7A  }
0x26: {  	[smem:$0x3F9F] =	sst s1;
	(tag) =	ssettag s2;
	_ =	strace s9  }
0x27: {  	s1 =	sld [smem:$0x3FAF]  }
0x28: {  	s2 =	sld [smem:$0x3FB0]  }
0x29: {  	s4 =	sld [smem:$0x3FB2]  }
0x2a: {  	p0 =	seq.s32 s5, $0x0;
	s5 =	sld [smem:$0x3FB3]  }
0x2b: {  	s6 =	sld [smem:$0x3FB4]  }
0x2c: {  	s7 =	sld [smem:$0x3FB5]  }
0x2d: {  	s3 =	simm.s32 $0x108;
	s8 =	sld [smem:$0x3FB6]  }
0x2e: {  	s3 =	simm.s32 @!p0 $0x1082;
	s9 =	sld [smem:$0x3FB7]  }
0x2f: {  	lr =	sadd.s32 s0, s3;
	s0 =	sld [smem:$0x3FAE]  }
0x30: {  	s3 =	sld [smem:$0x3FB1]  }
0x31: {  	[smem:$0x3FBA] =	sst s10  }
0x32: {  	s10 =	sld [smem:$0x3FB8];
	_ =	sdelay $0x3  }
0x33: {  	p0 =	seq.s32 s10, $0x1;
	s10 =	sld [smem:$0x3FBA];
	_ =	sdelay $0x3  }
0x34: {  	[smem:$0x3FBA] =	sst s10  }
0x35: {  	s10 =	sld [smem:$0x3FB9];
	_ =	sdelay $0x3  }
0x36: {  	p1 =	seq.s32 s10, $0x1;
	s10 =	sld [smem:$0x3FBA];
	_ =	sdelay $0x3  }
0x37: {  	[smem:$0x3FBA] =	sst s10  }
0x38: {  	s10 =	sld [smem:$0x3FBB]  }
0x39: {  	_ = 	snop;
	(pc) =	sbr.ind lr, $3  }
0x3a: {  	_ = 	snop  }
0x3b: {  	_ = 	snop  }
0x3c: {  	p2 =	seq.s32 s10, $0x1;
	s10 =	sld [smem:$0x3FBA]  }
0x3d: {  	_ =	shalt  }
0x3e: {  	_ =	shalt  }
0x3f: {  	_ =	shalt  }
0x40: {  	_ =	shalt  }
0x41: {  	_ =	shalt  }
0x42: {  	_ =	shalt  }
0x43: {  	_ =	shalt  }
0x44: {  	_ =	shalt  }
0x45: {  	_ =	shalt  }
0x46: {  	_ =	shalt  }
0x47: {  	_ =	shalt  }
0x48: {  	_ =	shalt  }
0x49: {  	_ =	shalt  }
0x4a: {  	_ =	shalt  }
0x4b: {  	_ =	shalt  }
0x4c: {  	_ =	shalt  }
0x4d: {  	_ =	shalt  }
0x4e: {  	_ =	shalt  }
0x4f: {  	_ =	shalt  }
0x50: {  	_ =	shalt  }
0x51: {  	_ =	shalt  }
0x52: {  	_ =	shalt  }
0x53: {  	_ =	shalt  }
0x54: {  	_ =	shalt  }
0x55: {  	_ =	shalt  }
0x56: {  	_ =	shalt  }
0x57: {  	_ =	shalt  }
0x58: {  	_ =	shalt  }
0x59: {  	_ =	shalt  }
0x5a: {  	_ =	shalt  }
0x5b: {  	_ =	shalt  }
0x5c: {  	_ =	shalt  }
0x5d: {  	_ =	shalt  }
0x5e: {  	_ =	shalt  }
0x5f: {  	_ =	shalt  }
0x60: {  	_ =	shalt  }
0x61: {  	_ =	shalt  }
0x62: {  	_ =	shalt  }
0x63: {  	_ =	shalt  }
0x64: {  	_ =	shalt  }
0x65: {  	_ =	shalt  }
0x66: {  	_ =	shalt  }
0x67: {  	_ =	shalt  }
0x68: {  	_ =	shalt  }
0x69: {  	_ =	shalt  }
0x6a: {  	_ =	shalt  }
0x6b: {  	_ =	shalt  }
0x6c: {  	_ =	shalt  }
0x6d: {  	_ =	shalt  }
0x6e: {  	_ =	shalt  }
0x6f: {  	_ =	shalt  }
0x70: {  	_ =	shalt  }
0x71: {  	_ =	shalt  }
0x72: {  	_ =	shalt  }
0x73: {  	_ =	shalt  }
0x74: {  	_ =	shalt  }
0x75: {  	_ =	shalt  }
0x76: {  	_ =	shalt  }
0x77: {  	_ =	shalt  }
0x78: {  	_ =	shalt  }
0x79: {  	_ =	shalt  }
0x7a: {  	_ =	shalt  }
0x7b: {  	_ =	shalt  }
0x7c: {  	_ =	shalt  }
0x7d: {  	_ =	shalt  }
0x7e: {  	_ =	shalt  }
0x7f: {  	_ =	shalt  }
0x80: {  	_ =	shalt  }
0x81: {  	_ =	shalt  }
0x82: {  	_ =	shalt  }
0x83: {  	_ =	shalt  }
0x84: {  	_ =	shalt  }
0x85: {  	_ =	shalt  }
0x86: {  	_ =	shalt  }
0x87: {  	_ =	shalt  }
.Lfunc_end0:
.L_simem_size_0:
called_computation_lowered:
.L_overlay_start_0:
0x88: {  	s2 =	sld [smem:$0x3FD9]  }
0x89: {  	s3 =	sld [smem:$0x3FFE];
	_ =	sdelay $0x1  }
0x8a: {  	s1 =	srdreg.scid  }
0x8b: {  	s0 =	sand.u32 $0x1, s1  }
0x8c: {  	s14 =	sshll.u32 s0, $0xA;
	s2 =	sadd.s32 s3, s2  }
0x8d: {  	s2 =	sadd.s32 s2, s14  }
0x8e: {  	[smem:$0x3FC6] =	sst s2  }
0x8f: {  	_ = 	snop  }
0x90: {  	s2 =	sld [smem:$0x3FD0];
	_ =	sdelay $0x2  }
0x91: {  	s4 =	simm.s32 $0xA;
	s5 =	simm.s32 $0x10;
	s15 =	sld [smem:$0x3FC8]  }
0x92: {  	[smem:s5], [sflag:s4] =	dma.local [hbm:s2], $0x1  }
0x93: {  	_ =	swait.eq [sflag:s4], $0x1  }
0x94: {  	[sflag:s4] =	ssyncset.done $0x0  }
0x95: {  	[sflag:s4] =	ssyncadd.s32 $0xFFFFFFFF  }
0x96: {  	s16 =	sld [smem:$0x10];
	(tm) =	ssettm $0x1  }
0x97: {  	s17 =	sld [smem:$0x3FFB];
	_ =	sdelay $0x3  }
0x98: {  	_ =	strace s17  }
0x99: {  	s4 =	sld [smem:$0x3FFC];
	_ =	sdelay $0x3  }
0x9a: {  	_ =	strace s4  }
0x9b: {  	s4 =	sld [smem:$0x3FFD];
	_ =	sdelay $0x3  }
0x9c: {  	_ =	strace s4  }
0x9d: {  	_ =	strace $0x8FFFFFFF  }
0x9e: {  	s18 =	sld [smem:$0x3FDB];
	_ =	sdelay $0x1  }
0x9f: {  	s19 =	simm.s32 $_scs_section_size  }
0xa0: {  	s6 =	simm.s32 $_size__tile_overlayer_lowered;
	s7 =	simm.s32 $_tile_overlayer_lowered  }
0xa1: {  	s22 =	simm.s32 $0x1BFF;
	s21 =	sshll.u32 s7, $0x1;
	s4 =	sadd.s32 s19, s18  }
0xa2: {  	s8 =	simm.s32 $0x0;
	s20 =	sshll.u32 s6, $0x1;
	s6 =	sadd.s32 s21, s4  }
0xa3: {  	[timem:s8], [sflag:s22] =	dma.local [hbm:s6], s20  }
0xa4: {  	_ =	swait.ge [sflag:s22], s20  }
0xa5: {  	s5 =	ssub.s32 $0x0, s20;
	[sflag:s22] =	ssyncset.done $0x0  }
0xa6: {  	[sflag:s22] =	ssyncadd.s32 s5;
	_ =	sdelay $0x1  }
0xa7: {  	s23 =	simm.s32 $0x1B8B  }
0xa8: {  	_ =	swait.ge [sflag:s23], $0x1  }
0xa9: {  	[sflag:s23] =	ssyncset.done $0x0  }
0xaa: {  	s25 =	simm.s32 $0x1B8E;
	s24 =	sld [smem:$0x3FFE];
	[sflag:s23] =	ssyncadd.s32 $0xFFFFFFFF  }
0xab: {  	s26 =	simm.s32 $execute0_lowered;
	[smem:$0x3FD2] =	sst s25  }
0xac: {  	s6 =	sshll.u32 s26, $0x1;
	_ =	strace $0x80000046;
	[dreg:$0x1] =	wrdreg $0xFFFFFFFF  }
0xad: {  	s28 =	simm.s32 $_size_execute0_lowered;
	s4 =	sadd.s32 s4, s6;
	[dreg:$0x0] =	wrdreg $0x0  }
0xae: {  	s6 =	sshll.u32 s28, $0x1;
	[dreg:$0x2] =	wrdreg s4  }
0xaf: {  	[dreg:$0x3] =	wrdreg s6  }
0xb0: {  	[dreg:$0x4] =	wrdreg $0xC0  }
0xb1: {  	_ =	task [dreg:s8], $0x5FFFF  }
0xb2: {  	[dreg:$0x1] =	wrdreg $0xFFFFFFFF  }
0xb3: {  	[dreg:$0x0] =	wrdreg $0x60  }
0xb4: {  	[dreg:$0x2] =	wrdreg s15  }
0xb5: {  	[dreg:$0x3] =	wrdreg s24  }
0xb6: {  	[dreg:$0x4] =	wrdreg s16  }
0xb7: {  	[dreg:$0x5] =	wrdreg $0x9  }
0xb8: {  	_ =	task.clear_ibuf [dreg:s8], $0x6FFFF;
	_ =	strace $0x90000046  }
0xb9: {  	s29 =	simm.s32 $0x9;
	_ =	strace $0x80000048  }
0xba: {  	_ =	swait.ge [sflag:s29], $0x1  }
0xbb: {  	[sflag:s29] =	ssyncadd.s32 $0xFFFFFFFF  }
0xbc: {  	_ =	strace $0x90000048  }
0xbd: {  	_ =	sfence  }
0xbe: {  	s30 =	sld [smem:$0x0];
	_ =	sdelay $0x2  }
0xbf: {  	s31 =	sshll.u32 s1, $0xD;
	s1 =	sshrl.u32 s1, $0x2  }
0xc0: {  	s3 =	sand.u32 $0x4000, s31;
	s1 =	sadd.s32 s1, s30  }
0xc1: {  	s0 =	sor.u32 s3, s0;
	s1 =	sshll.u32 s1, $0x11  }
0xc2: {  	s0 =	sor.u32 s1, s0  }
0xc3: {  	s0 =	sadd.s32 $0x8F2B, s0  }
0xc4: {  	[sflag:s0] =	ssyncadd.remote.s32 $0x1  }
0xc5: {  	_ =	sfence.sel $0xFFFF  }
0xc6: {  	[dreg:$0x0] =	wrdreg $0xFFFFFFFF;
	(pc) =	sbr.abs _section_cstart, $3  }
0xc7: {  	[dreg:$0x1] =	wrdreg $0xFFFFFFFF  }
0xc8: {  	_ =	task.clear_ibuf [dreg:s8], $0x2FFFF;
	_ =	strace $0x9FFFFFFF  }
0xc9: {  	(tm) =	ssettm $0x7FFFFFFF  }
tec
execute0_lowered:
.L_overlay_start_1:
0x0: {  	(tag) =	ssettag $0x1  }
0x1: {  	s2 =	srdreg.scid  }
0x2: {  	s0 =	stileid.u32;
	s1 =	rddreg [dreg:$0x0]  }
0x3: {  	s4 =	rddreg [dreg:$0x1];
	s2 =	sand.u32 $0x1, s2;
	s3 =	sshll.u32 s0, $0x1  }
0x4: {  	s6 =	rddreg [dreg:$0x2];
	s5 =	sor.u32 s2, s3;
	s3 =	simm.s32 $0x0  }
0x5: {  	s14 =	simm.s32 $0x9A80;
	[smem:$0x7FF] =	sst s3  }
0x6: {  	s15 =	simm.s32 $0xA280;
	_ =	strace $0x80000047;
	[dreg:$0x9] =	wrdreg s14  }
0x7: {  	s16 =	simm.s32 $0xAA80;
	[dreg:$0xa] =	wrdreg s15  }
0x8: {  	s17 =	simm.s32 $0xB280;
	[dreg:$0xb] =	wrdreg s16  }
0x9: {  	s18 =	simm.s32 $0xBA80;
	[dreg:$0xc] =	wrdreg s17  }
0xa: {  	s19 =	simm.s32 $0xC280;
	[dreg:$0xd] =	wrdreg s18  }
0xb: {  	s20 =	simm.s32 $0xCA80;
	[dreg:$0xe] =	wrdreg s19  }
0xc: {  	s21 =	simm.s32 $0xD280;
	[dreg:$0xf] =	wrdreg s20  }
0xd: {  	s22 =	simm.s32 $0xDA80;
	[dreg:$0x10] =	wrdreg s21  }
0xe: {  	s23 =	simm.s32 $0xE280;
	[dreg:$0x11] =	wrdreg s22  }
0xf: {  	s24 =	simm.s32 $0xEA80;
	[dreg:$0x12] =	wrdreg s23  }
0x10: {  	s25 =	simm.s32 $0xF280;
	[dreg:$0x13] =	wrdreg s24  }
0x11: {  	s0 =	simm.s32 $0xFA80;
	[dreg:$0x14] =	wrdreg s25  }
0x12: {  	[dreg:$0x15] =	wrdreg s0;
	s14 =	simm.s32 $0x14A80  }
0x13: {  	s28 =	simm.s32 $0x4;
	s15 =	simm.s32 $0x15280;
	[dreg:$0x1e] =	wrdreg s14  }
0x14: {  	s29 =	simm.s32 $0x2;
	s16 =	simm.s32 $0x15A80;
	[dreg:$0x1f] =	wrdreg s15  }
0x15: {  	s30 =	simm.s32 $0x3;
	s17 =	simm.s32 $0x16280;
	[smem:$0x7F3] =	sst s16  }
0x16: {  	s31 =	simm.s32 $0x5;
	s18 =	simm.s32 $0x16A80;
	[smem:$0x7F4] =	sst s17  }
0x17: {  	s2 =	ssub.s32 $0x2, s2;
	s19 =	simm.s32 $0x17280;
	[smem:$0x7F5] =	sst s18  }
0x18: {  	s7 =	smul.u32 $0x48, s5;
	s20 =	simm.s32 $0x17A80;
	[smem:$0x7F6] =	sst s19  }
0x19: {  	s8 =	smul.u32 $0x24000, s5;
	s21 =	simm.s32 $0x18280;
	[smem:$0x7F7] =	sst s20  }
0x1a: {  	s5 =	smul.u32 $0x4800, s5;
	s22 =	simm.s32 $0x18A80;
	[smem:$0x7F8] =	sst s21  }
0x1b: {  	s26 =	sshrl.u32 s2, $0x1;
	s23 =	simm.s32 $0x19280;
	[smem:$0x7F9] =	sst s22  }
0x1c: {  	s2 =	ssub.s32 s2, s26;
	s24 =	simm.s32 $0x19A80;
	[smem:$0x7FA] =	sst s23  }
0x1d: {  	s25 =	simm.s32 $0x1A280;
	s26 =	simm.s32 $0x1AA80;
	[smem:$0x7FB] =	sst s24  }
0x1e: {  	s4 =	sadd.s32 s7, s4;
	s8 =	sshrl.u32 s8, $0x3;
	[smem:$0x7FC] =	sst s25  }
0x1f: {  	s9 =	sadd.s32 s6, s5;
	s7 =	simm.s32 $0x10A80;
	[smem:$0x7FD] =	sst s26  }
0x20: {  	s26 =	simm.s32 $0x1;
	s14 =	simm.s32 $0x3A80;
	s15 =	simm.s32 $0x4280  }
0x21: {  	s16 =	simm.s32 $0x4A80;
	s17 =	simm.s32 $0x5280;
	s18 =	simm.s32 $0x5A80  }
0x22: {  	s19 =	simm.s32 $0x6280;
	s20 =	simm.s32 $0x6A80;
	[dreg:$0x5] =	wrdreg s9  }
0x23: {  	s21 =	simm.s32 $0x7280;
	s4 =	sadd.s32 $0x600, s4;
	[dreg:$0x17] =	wrdreg s7  }
0x24: {  	s10 =	sadd.s32 s6, s8;
	s6 =	simm.s32 $0x10280;
	[dreg:$0x4] =	wrdreg s4  }
0x25: {  	s22 =	simm.s32 $0x7A80;
	s8 =	simm.s32 $0x11280;
	[dreg:$0x16] =	wrdreg s6  }
0x26: {  	s23 =	simm.s32 $0x8280;
	s9 =	simm.s32 $0x11A80;
	[dreg:$0x18] =	wrdreg s8  }
0x27: {  	s24 =	simm.s32 $0x8A80;
	s11 =	sadd.s32 $0x1200, s10;
	[dreg:$0x19] =	wrdreg s9  }
0x28: {  	s25 =	simm.s32 $0x9280;
	s12 =	sadd.s32 $0x2400, s10;
	[dreg:$0x6] =	wrdreg s11  }
0x29: {  	s5 =	simm.s32 $0x12280;
	s13 =	sadd.s32 $0x3600, s10;
	[dreg:$0x7] =	wrdreg s12  }
0x2a: {  	s4 =	smax.u32 s2, $0x1;
	s10 =	simm.s32 $0x12A80;
	[dreg:$0x8] =	wrdreg s13  }
0x2b: {  	s6 =	simm.s32 $0x280;
	[dreg:$0x1a] =	wrdreg s10;
	s11 =	simm.s32 $0x13280  }
0x2c: {  	s2 =	simm.s32 $0x6;
	s12 =	simm.s32 $0x13A80;
	[dreg:$0x1b] =	wrdreg s11  }
0x2d: {  	v2 =	vlaneseq.u32;
	s8 =	simm.s32 $0xA80;
	s13 =	simm.s32 $0x14280;
	[dreg:$0x1c] =	wrdreg s12  }
0x2e: {  	vm0 =	vmmov $0xffff;
	v1 =	vshrl.u32 v2, $0x3;
	s9 =	simm.s32 $0x1280;
	s10 =	simm.s32 $0x1A80;
	[dreg:$0x1d] =	wrdreg s13  }
0x2f: {  	v0 =	vand.u32 $0x7, v2;
	v2 =	vor.u32 $0x8, v2;
	v1 =	vmul.u32 $0x8, v1;
	s11 =	simm.s32 $0x2280;
	s12 =	simm.s32 $0x2A80;
	s13 =	simm.s32 $0x3280  }
.LBB2_1:
0x30: {  	s0 =	rddreg [dreg:$0x4];
	s7 =	simm.s32 $0x7  }
0x31: {  	[tilespmem:s3], [sflag:$0x7] =	stream.linear.gather [hbm4b:s0+s3], $0x240, $0x38;
	[tilespmem:$0x1B280] =	vst v63  }
0x32: {  	_ =	swait.ge [sflag:s7], $0x240  }
0x33: {  	[sflag:s7] =	ssyncset.done $0x0  }
0x34: {  	[sflag:s7] =	ssyncadd.s32 $0xFFFFFDC0  }
0x35: {  	v3 =	vld [tilespmem:$0x0];
	_ =	sdelay $0x4  }
0x36: {  	v4 =	vshll.u32 v3, $0x1  }
0x37: {  	v3 =	vand.u32 $0x7, v3;
	v4 =	vand.u32 $0xFFFFFFF0, v4  }
0x38: {  	v3 =	vor.u32 v3, v4  }
0x39: {  	v4 =	vperm.xlane v3, v0;
	_ =	sdelay $0x1  }
0x3a: {  	v3 =	vperm.xlane v3, v2;
	v4 =	vadd.s32 v1, v4;
	_ =	sdelay $0x1  }
0x3b: {  	v3 =	vadd.s32 v1, v3;
	_ =	sdelay $0x2  }
0x3c: {  	[tilespmem:s6], [sflag:$0x1] =	stream.indirect_vreg.gather [hbm4b:s1+s3], $0x80, v4, vm0, $0xb8;
	[tilespmem:$0x1B280] =	vst v63  }
0x3d: {  	_ = 	snop  }
0x3e: {  	[tilespmem:s8], [sflag:$0x1] =	stream.indirect_vreg.gather [hbm4b:s1+s3], $0x80, v3, vm0, $0xb8;
	[tilespmem:$0x1B280] =	vst v63  }
0x3f: {  	v3 =	vld [tilespmem:$0x10];
	_ =	sdelay $0x4  }
0x40: {  	v29 =	vshll.u32 v3, $0x1  }
0x41: {  	v3 =	vand.u32 $0x7, v3;
	v4 =	vand.u32 $0xFFFFFFF0, v29  }
0x42: {  	v3 =	vor.u32 v3, v4  }
0x43: {  	v4 =	vperm.xlane v3, v0;
	_ =	sdelay $0x1  }
0x44: {  	v3 =	vperm.xlane v3, v2;
	v4 =	vadd.s32 v1, v4;
	_ =	sdelay $0x1  }
0x45: {  	v3 =	vadd.s32 v1, v3;
	_ =	sdelay $0x2  }
0x46: {  	[tilespmem:s9], [sflag:$0x1] =	stream.indirect_vreg.gather [hbm4b:s1+s3], $0x80, v4, vm0, $0xb8;
	[tilespmem:$0x1B280] =	vst v63  }
0x47: {  	_ = 	snop  }
0x48: {  	[tilespmem:s10], [sflag:$0x1] =	stream.indirect_vreg.gather [hbm4b:s1+s3], $0x80, v3, vm0, $0xb8;
	[tilespmem:$0x1B280] =	vst v63  }
0x49: {  	v3 =	vld [tilespmem:$0x20];
	_ =	sdelay $0x4  }
0x4a: {  	v30 =	vshll.u32 v3, $0x1  }
0x4b: {  	v3 =	vand.u32 $0x7, v3;
	v4 =	vand.u32 $0xFFFFFFF0, v30  }
0x4c: {  	v3 =	vor.u32 v3, v4  }
0x4d: {  	v4 =	vperm.xlane v3, v0;
	_ =	sdelay $0x1  }
0x4e: {  	v3 =	vperm.xlane v3, v2;
	v4 =	vadd.s32 v1, v4;
	_ =	sdelay $0x1  }
0x4f: {  	v3 =	vadd.s32 v1, v3;
	_ =	sdelay $0x2  }
0x50: {  	[tilespmem:s11], [sflag:$0x1] =	stream.indirect_vreg.gather [hbm4b:s1+s3], $0x80, v4, vm0, $0xb8;
	[tilespmem:$0x1B280] =	vst v63  }
0x51: {  	_ = 	snop  }
0x52: {  	[tilespmem:s12], [sflag:$0x1] =	stream.indirect_vreg.gather [hbm4b:s1+s3], $0x80, v3, vm0, $0xb8;
	[tilespmem:$0x1B280] =	vst v63  }
0x53: {  	v3 =	vld [tilespmem:$0x30];
	_ =	sdelay $0x4  }
0x54: {  	v31 =	vshll.u32 v3, $0x1  }
0x55: {  	v3 =	vand.u32 $0x7, v3;
	v4 =	vand.u32 $0xFFFFFFF0, v31  }
0x56: {  	v3 =	vor.u32 v3, v4  }
0x57: {  	v4 =	vperm.xlane v3, v0;
	_ =	sdelay $0x1  }
0x58: {  	v3 =	vperm.xlane v3, v2;
	v4 =	vadd.s32 v1, v4;
	_ =	sdelay $0x1  }
0x59: {  	v3 =	vadd.s32 v1, v3;
	_ =	sdelay $0x2  }
0x5a: {  	[tilespmem:s13], [sflag:$0x1] =	stream.indirect_vreg.gather [hbm4b:s1+s3], $0x80, v4, vm0, $0xb8;
	[tilespmem:$0x1B280] =	vst v63  }
0x5b: {  	_ = 	snop  }
0x5c: {  	[tilespmem:s14], [sflag:$0x1] =	stream.indirect_vreg.gather [hbm4b:s1+s3], $0x80, v3, vm0, $0xb8;
	[tilespmem:$0x1B280] =	vst v63  }
0x5d: {  	v3 =	vld [tilespmem:$0x40];
	_ =	sdelay $0x4  }
0x5e: {  	v32 =	vshll.u32 v3, $0x1  }
0x5f: {  	v3 =	vand.u32 $0x7, v3;
	v4 =	vand.u32 $0xFFFFFFF0, v32  }
0x60: {  	v3 =	vor.u32 v3, v4  }
0x61: {  	v4 =	vperm.xlane v3, v0;
	_ =	sdelay $0x1  }
0x62: {  	v3 =	vperm.xlane v3, v2;
	v4 =	vadd.s32 v1, v4;
	_ =	sdelay $0x1  }
0x63: {  	v3 =	vadd.s32 v1, v3;
	_ =	sdelay $0x2  }
0x64: {  	[tilespmem:s15], [sflag:$0x1] =	stream.indirect_vreg.gather [hbm4b:s1+s3], $0x80, v4, vm0, $0xb8;
	[tilespmem:$0x1B280] =	vst v63  }
0x65: {  	_ = 	snop  }
0x66: {  	[tilespmem:s16], [sflag:$0x1] =	stream.indirect_vreg.gather [hbm4b:s1+s3], $0x80, v3, vm0, $0xb8;
	[tilespmem:$0x1B280] =	vst v63  }
0x67: {  	v3 =	vld [tilespmem:$0x50];
	_ =	sdelay $0x4  }
0x68: {  	v33 =	vshll.u32 v3, $0x1  }
0x69: {  	v3 =	vand.u32 $0x7, v3;
	v4 =	vand.u32 $0xFFFFFFF0, v33  }
0x6a: {  	v3 =	vor.u32 v3, v4  }
0x6b: {  	v4 =	vperm.xlane v3, v0;
	_ =	sdelay $0x1  }
0x6c: {  	v3 =	vperm.xlane v3, v2;
	v4 =	vadd.s32 v1, v4;
	_ =	sdelay $0x1  }
0x6d: {  	v3 =	vadd.s32 v1, v3;
	_ =	sdelay $0x2  }
0x6e: {  	[tilespmem:s17], [sflag:$0x1] =	stream.indirect_vreg.gather [hbm4b:s1+s3], $0x80, v4, vm0, $0xb8;
	[tilespmem:$0x1B280] =	vst v63  }
0x6f: {  	_ = 	snop  }
0x70: {  	[tilespmem:s18], [sflag:$0x1] =	stream.indirect_vreg.gather [hbm4b:s1+s3], $0x80, v3, vm0, $0xb8;
	[tilespmem:$0x1B280] =	vst v63  }
0x71: {  	v3 =	vld [tilespmem:$0x60];
	_ =	sdelay $0x4  }
0x72: {  	v34 =	vshll.u32 v3, $0x1  }
0x73: {  	v3 =	vand.u32 $0x7, v3;
	v4 =	vand.u32 $0xFFFFFFF0, v34  }
0x74: {  	v3 =	vor.u32 v3, v4  }
0x75: {  	v4 =	vperm.xlane v3, v0;
	_ =	sdelay $0x1  }
0x76: {  	v3 =	vperm.xlane v3, v2;
	v4 =	vadd.s32 v1, v4;
	_ =	sdelay $0x1  }
0x77: {  	v3 =	vadd.s32 v1, v3;
	_ =	sdelay $0x2  }
0x78: {  	[tilespmem:s19], [sflag:$0x1] =	stream.indirect_vreg.gather [hbm4b:s1+s3], $0x80, v4, vm0, $0xb8;
	[tilespmem:$0x1B280] =	vst v63  }
0x79: {  	_ = 	snop  }
0x7a: {  	[tilespmem:s20], [sflag:$0x1] =	stream.indirect_vreg.gather [hbm4b:s1+s3], $0x80, v3, vm0, $0xb8;
	[tilespmem:$0x1B280] =	vst v63  }
0x7b: {  	v3 =	vld [tilespmem:$0x70];
	_ =	sdelay $0x4  }
0x7c: {  	v35 =	vshll.u32 v3, $0x1  }
0x7d: {  	v3 =	vand.u32 $0x7, v3;
	v4 =	vand.u32 $0xFFFFFFF0, v35  }
0x7e: {  	v3 =	vor.u32 v3, v4  }
0x7f: {  	v4 =	vperm.xlane v3, v0;
	_ =	sdelay $0x1  }
0x80: {  	v3 =	vperm.xlane v3, v2;
	v4 =	vadd.s32 v1, v4;
	_ =	sdelay $0x1  }
0x81: {  	v3 =	vadd.s32 v1, v3;
	_ =	sdelay $0x2  }
0x82: {  	[tilespmem:s21], [sflag:$0x1] =	stream.indirect_vreg.gather [hbm4b:s1+s3], $0x80, v4, vm0, $0xb8;
	[tilespmem:$0x1B280] =	vst v63  }
0x83: {  	_ = 	snop  }
0x84: {  	[tilespmem:s22], [sflag:$0x1] =	stream.indirect_vreg.gather [hbm4b:s1+s3], $0x80, v3, vm0, $0xb8;
	[tilespmem:$0x1B280] =	vst v63  }
0x85: {  	v3 =	vld [tilespmem:$0x80];
	_ =	sdelay $0x4  }
0x86: {  	v36 =	vshll.u32 v3, $0x1  }
0x87: {  	v3 =	vand.u32 $0x7, v3;
	v4 =	vand.u32 $0xFFFFFFF0, v36  }
0x88: {  	v3 =	vor.u32 v3, v4  }
0x89: {  	v4 =	vperm.xlane v3, v0;
	_ =	sdelay $0x1  }
0x8a: {  	v3 =	vperm.xlane v3, v2;
	v4 =	vadd.s32 v1, v4;
	_ =	sdelay $0x1  }
0x8b: {  	v3 =	vadd.s32 v1, v3;
	_ =	sdelay $0x2  }
0x8c: {  	[tilespmem:s23], [sflag:$0x1] =	stream.indirect_vreg.gather [hbm4b:s1+s3], $0x80, v4, vm0, $0xb8;
	[tilespmem:$0x1B280] =	vst v63  }
0x8d: {  	_ = 	snop  }
0x8e: {  	[tilespmem:s24], [sflag:$0x1] =	stream.indirect_vreg.gather [hbm4b:s1+s3], $0x80, v3, vm0, $0xb8;
	[tilespmem:$0x1B280] =	vst v63  }
0x8f: {  	v3 =	vld [tilespmem:$0x90];
	_ =	sdelay $0x4  }
0x90: {  	v37 =	vshll.u32 v3, $0x1  }
0x91: {  	v3 =	vand.u32 $0x7, v3;
	v4 =	vand.u32 $0xFFFFFFF0, v37  }
0x92: {  	v3 =	vor.u32 v3, v4  }
0x93: {  	v4 =	vperm.xlane v3, v0;
	_ =	sdelay $0x1  }
0x94: {  	v3 =	vperm.xlane v3, v2;
	v4 =	vadd.s32 v1, v4;
	_ =	sdelay $0x1  }
0x95: {  	v3 =	vadd.s32 v1, v3;
	_ =	sdelay $0x2  }
0x96: {  	[tilespmem:s25], [sflag:$0x2] =	stream.indirect_vreg.gather [hbm4b:s1+s3], $0x80, v4, vm0, $0xb8;
	[tilespmem:$0x1B280] =	vst v63  }
0x97: {  	s7 =	rddreg [dreg:$0x9]  }
0x98: {  	[tilespmem:s7], [sflag:$0x2] =	stream.indirect_vreg.gather [hbm4b:s1+s3], $0x80, v3, vm0, $0xb8;
	[tilespmem:$0x1B280] =	vst v63  }
0x99: {  	v3 =	vld [tilespmem:$0xA0];
	_ =	sdelay $0x4  }
0x9a: {  	v38 =	vshll.u32 v3, $0x1  }
0x9b: {  	v3 =	vand.u32 $0x7, v3;
	v4 =	vand.u32 $0xFFFFFFF0, v38  }
0x9c: {  	v3 =	vor.u32 v3, v4  }
0x9d: {  	v4 =	vperm.xlane v3, v0;
	_ =	sdelay $0x1  }
0x9e: {  	v3 =	vperm.xlane v3, v2;
	v4 =	vadd.s32 v1, v4;
	_ =	sdelay $0x1  }
0x9f: {  	v3 =	vadd.s32 v1, v3;
	_ =	sdelay $0x1  }
0xa0: {  	s0 =	rddreg [dreg:$0xa]  }
0xa1: {  	[tilespmem:s0], [sflag:$0x2] =	stream.indirect_vreg.gather [hbm4b:s1+s3], $0x80, v4, vm0, $0xb8;
	[tilespmem:$0x1B280] =	vst v63  }
0xa2: {  	s7 =	rddreg [dreg:$0xb]  }
0xa3: {  	[tilespmem:s7], [sflag:$0x2] =	stream.indirect_vreg.gather [hbm4b:s1+s3], $0x80, v3, vm0, $0xb8;
	[tilespmem:$0x1B280] =	vst v63  }
0xa4: {  	v3 =	vld [tilespmem:$0xB0];
	_ =	sdelay $0x4  }
0xa5: {  	v39 =	vshll.u32 v3, $0x1  }
0xa6: {  	v3 =	vand.u32 $0x7, v3;
	v4 =	vand.u32 $0xFFFFFFF0, v39  }
0xa7: {  	v3 =	vor.u32 v3, v4  }
0xa8: {  	v4 =	vperm.xlane v3, v0;
	_ =	sdelay $0x1  }
0xa9: {  	v3 =	vperm.xlane v3, v2;
	v4 =	vadd.s32 v1, v4;
	_ =	sdelay $0x1  }
0xaa: {  	v3 =	vadd.s32 v1, v3;
	_ =	sdelay $0x1  }
0xab: {  	s0 =	rddreg [dreg:$0xc]  }
0xac: {  	[tilespmem:s0], [sflag:$0x2] =	stream.indirect_vreg.gather [hbm4b:s1+s3], $0x80, v4, vm0, $0xb8;
	[tilespmem:$0x1B280] =	vst v63  }
0xad: {  	s7 =	rddreg [dreg:$0xd]  }
0xae: {  	[tilespmem:s7], [sflag:$0x2] =	stream.indirect_vreg.gather [hbm4b:s1+s3], $0x80, v3, vm0, $0xb8;
	[tilespmem:$0x1B280] =	vst v63  }
0xaf: {  	v3 =	vld [tilespmem:$0xC0];
	_ =	sdelay $0x4  }
0xb0: {  	v40 =	vshll.u32 v3, $0x1  }
0xb1: {  	v3 =	vand.u32 $0x7, v3;
	v4 =	vand.u32 $0xFFFFFFF0, v40  }
0xb2: {  	v3 =	vor.u32 v3, v4  }
0xb3: {  	v4 =	vperm.xlane v3, v0;
	_ =	sdelay $0x1  }
0xb4: {  	v3 =	vperm.xlane v3, v2;
	v4 =	vadd.s32 v1, v4;
	_ =	sdelay $0x1  }
0xb5: {  	v3 =	vadd.s32 v1, v3;
	_ =	sdelay $0x1  }
0xb6: {  	s0 =	rddreg [dreg:$0xe]  }
0xb7: {  	[tilespmem:s0], [sflag:$0x2] =	stream.indirect_vreg.gather [hbm4b:s1+s3], $0x80, v4, vm0, $0xb8;
	[tilespmem:$0x1B280] =	vst v63  }
0xb8: {  	s7 =	rddreg [dreg:$0xf]  }
0xb9: {  	[tilespmem:s7], [sflag:$0x2] =	stream.indirect_vreg.gather [hbm4b:s1+s3], $0x80, v3, vm0, $0xb8;
	[tilespmem:$0x1B280] =	vst v63  }
0xba: {  	v3 =	vld [tilespmem:$0xD0];
	_ =	sdelay $0x4  }
0xbb: {  	v41 =	vshll.u32 v3, $0x1  }
0xbc: {  	v3 =	vand.u32 $0x7, v3;
	v4 =	vand.u32 $0xFFFFFFF0, v41  }
0xbd: {  	v3 =	vor.u32 v3, v4  }
0xbe: {  	v4 =	vperm.xlane v3, v0;
	_ =	sdelay $0x1  }
0xbf: {  	v3 =	vperm.xlane v3, v2;
	v4 =	vadd.s32 v1, v4;
	_ =	sdelay $0x1  }
0xc0: {  	v3 =	vadd.s32 v1, v3;
	_ =	sdelay $0x1  }
0xc1: {  	s0 =	rddreg [dreg:$0x10]  }
0xc2: {  	[tilespmem:s0], [sflag:$0x2] =	stream.indirect_vreg.gather [hbm4b:s1+s3], $0x80, v4, vm0, $0xb8;
	[tilespmem:$0x1B280] =	vst v63  }
0xc3: {  	s7 =	rddreg [dreg:$0x11]  }
0xc4: {  	[tilespmem:s7], [sflag:$0x2] =	stream.indirect_vreg.gather [hbm4b:s1+s3], $0x80, v3, vm0, $0xb8;
	[tilespmem:$0x1B280] =	vst v63  }
0xc5: {  	v3 =	vld [tilespmem:$0xE0];
	_ =	sdelay $0x4  }
0xc6: {  	v42 =	vshll.u32 v3, $0x1  }
0xc7: {  	v3 =	vand.u32 $0x7, v3;
	v4 =	vand.u32 $0xFFFFFFF0, v42  }
0xc8: {  	v3 =	vor.u32 v3, v4  }
0xc9: {  	v4 =	vperm.xlane v3, v0;
	_ =	sdelay $0x1  }
0xca: {  	v3 =	vperm.xlane v3, v2;
	v4 =	vadd.s32 v1, v4;
	_ =	sdelay $0x1  }
0xcb: {  	v3 =	vadd.s32 v1, v3;
	_ =	sdelay $0x1  }
0xcc: {  	s0 =	rddreg [dreg:$0x12]  }
0xcd: {  	[tilespmem:s0], [sflag:$0x2] =	stream.indirect_vreg.gather [hbm4b:s1+s3], $0x80, v4, vm0, $0xb8;
	[tilespmem:$0x1B280] =	vst v63  }
0xce: {  	s7 =	rddreg [dreg:$0x13]  }
0xcf: {  	[tilespmem:s7], [sflag:$0x2] =	stream.indirect_vreg.gather [hbm4b:s1+s3], $0x80, v3, vm0, $0xb8;
	[tilespmem:$0x1B280] =	vst v63  }
0xd0: {  	v3 =	vld [tilespmem:$0xF0];
	_ =	sdelay $0x4  }
0xd1: {  	v43 =	vshll.u32 v3, $0x1  }
0xd2: {  	v3 =	vand.u32 $0x7, v3;
	v4 =	vand.u32 $0xFFFFFFF0, v43  }
0xd3: {  	v3 =	vor.u32 v3, v4  }
0xd4: {  	v4 =	vperm.xlane v3, v0;
	_ =	sdelay $0x1  }
0xd5: {  	v3 =	vperm.xlane v3, v2;
	v4 =	vadd.s32 v1, v4;
	_ =	sdelay $0x1  }
0xd6: {  	v3 =	vadd.s32 v1, v3;
	_ =	sdelay $0x1  }
0xd7: {  	s0 =	rddreg [dreg:$0x14]  }
0xd8: {  	[tilespmem:s0], [sflag:$0x2] =	stream.indirect_vreg.gather [hbm4b:s1+s3], $0x80, v4, vm0, $0xb8;
	[tilespmem:$0x1B280] =	vst v63  }
0xd9: {  	s7 =	rddreg [dreg:$0x15]  }
0xda: {  	[tilespmem:s7], [sflag:$0x2] =	stream.indirect_vreg.gather [hbm4b:s1+s3], $0x80, v3, vm0, $0xb8;
	[tilespmem:$0x1B280] =	vst v63  }
0xdb: {  	v3 =	vld [tilespmem:$0x100];
	_ =	sdelay $0x4  }
0xdc: {  	v44 =	vshll.u32 v3, $0x1  }
0xdd: {  	v3 =	vand.u32 $0x7, v3;
	v4 =	vand.u32 $0xFFFFFFF0, v44  }
0xde: {  	v3 =	vor.u32 v3, v4  }
0xdf: {  	v4 =	vperm.xlane v3, v0;
	_ =	sdelay $0x1  }
0xe0: {  	v3 =	vperm.xlane v3, v2;
	v4 =	vadd.s32 v1, v4;
	_ =	sdelay $0x1  }
0xe1: {  	v3 =	vadd.s32 v1, v3;
	_ =	sdelay $0x1  }
0xe2: {  	s0 =	rddreg [dreg:$0x16]  }
0xe3: {  	[tilespmem:s0], [sflag:$0x2] =	stream.indirect_vreg.gather [hbm4b:s1+s3], $0x80, v4, vm0, $0xb8;
	[tilespmem:$0x1B280] =	vst v63  }
0xe4: {  	s7 =	rddreg [dreg:$0x17]  }
0xe5: {  	[tilespmem:s7], [sflag:$0x2] =	stream.indirect_vreg.gather [hbm4b:s1+s3], $0x80, v3, vm0, $0xb8;
	[tilespmem:$0x1B280] =	vst v63  }
0xe6: {  	v3 =	vld [tilespmem:$0x110];
	_ =	sdelay $0x4  }
0xe7: {  	v45 =	vshll.u32 v3, $0x1  }
0xe8: {  	v3 =	vand.u32 $0x7, v3;
	v4 =	vand.u32 $0xFFFFFFF0, v45  }
0xe9: {  	v3 =	vor.u32 v3, v4  }
0xea: {  	v4 =	vperm.xlane v3, v0;
	_ =	sdelay $0x1  }
0xeb: {  	v3 =	vperm.xlane v3, v2;
	v4 =	vadd.s32 v1, v4;
	_ =	sdelay $0x1  }
0xec: {  	v3 =	vadd.s32 v1, v3;
	_ =	sdelay $0x1  }
0xed: {  	s0 =	rddreg [dreg:$0x18]  }
0xee: {  	[tilespmem:s0], [sflag:$0x2] =	stream.indirect_vreg.gather [hbm4b:s1+s3], $0x80, v4, vm0, $0xb8;
	[tilespmem:$0x1B280] =	vst v63  }
0xef: {  	s7 =	rddreg [dreg:$0x19]  }
0xf0: {  	[tilespmem:s7], [sflag:$0x2] =	stream.indirect_vreg.gather [hbm4b:s1+s3], $0x80, v3, vm0, $0xb8;
	[tilespmem:$0x1B280] =	vst v63  }
0xf1: {  	v3 =	vld [tilespmem:$0x120];
	_ =	sdelay $0x4  }
0xf2: {  	v46 =	vshll.u32 v3, $0x1  }
0xf3: {  	v3 =	vand.u32 $0x7, v3;
	v4 =	vand.u32 $0xFFFFFFF0, v46  }
0xf4: {  	v3 =	vor.u32 v3, v4  }
0xf5: {  	v4 =	vperm.xlane v3, v0;
	_ =	sdelay $0x1  }
0xf6: {  	v3 =	vperm.xlane v3, v2;
	v4 =	vadd.s32 v1, v4;
	_ =	sdelay $0x1  }
0xf7: {  	v3 =	vadd.s32 v1, v3;
	_ =	sdelay $0x2  }
0xf8: {  	[tilespmem:s5], [sflag:$0x3] =	stream.indirect_vreg.gather [hbm4b:s1+s3], $0x80, v4, vm0, $0xb8;
	[tilespmem:$0x1B280] =	vst v63  }
0xf9: {  	s7 =	rddreg [dreg:$0x1a]  }
0xfa: {  	[tilespmem:s7], [sflag:$0x3] =	stream.indirect_vreg.gather [hbm4b:s1+s3], $0x80, v3, vm0, $0xb8;
	[tilespmem:$0x1B280] =	vst v63  }
0xfb: {  	v3 =	vld [tilespmem:$0x130];
	_ =	sdelay $0x4  }
0xfc: {  	v47 =	vshll.u32 v3, $0x1  }
0xfd: {  	v3 =	vand.u32 $0x7, v3;
	v4 =	vand.u32 $0xFFFFFFF0, v47  }
0xfe: {  	v3 =	vor.u32 v3, v4  }
0xff: {  	v4 =	vperm.xlane v3, v0;
	_ =	sdelay $0x1  }
0x100: {  	v3 =	vperm.xlane v3, v2;
	v4 =	vadd.s32 v1, v4;
	_ =	sdelay $0x1  }
0x101: {  	v3 =	vadd.s32 v1, v3;
	_ =	sdelay $0x1  }
0x102: {  	s0 =	rddreg [dreg:$0x1b]  }
0x103: {  	[tilespmem:s0], [sflag:$0x3] =	stream.indirect_vreg.gather [hbm4b:s1+s3], $0x80, v4, vm0, $0xb8;
	[tilespmem:$0x1B280] =	vst v63  }
0x104: {  	s7 =	rddreg [dreg:$0x1c]  }
0x105: {  	[tilespmem:s7], [sflag:$0x3] =	stream.indirect_vreg.gather [hbm4b:s1+s3], $0x80, v3, vm0, $0xb8;
	[tilespmem:$0x1B280] =	vst v63  }
0x106: {  	v3 =	vld [tilespmem:$0x140];
	_ =	sdelay $0x4  }
0x107: {  	v48 =	vshll.u32 v3, $0x1  }
0x108: {  	v3 =	vand.u32 $0x7, v3;
	v4 =	vand.u32 $0xFFFFFFF0, v48  }
0x109: {  	v3 =	vor.u32 v3, v4  }
0x10a: {  	v4 =	vperm.xlane v3, v0;
	_ =	sdelay $0x1  }
0x10b: {  	v3 =	vperm.xlane v3, v2;
	v4 =	vadd.s32 v1, v4;
	_ =	sdelay $0x1  }
0x10c: {  	v3 =	vadd.s32 v1, v3;
	_ =	sdelay $0x1  }
0x10d: {  	s0 =	rddreg [dreg:$0x1d]  }
0x10e: {  	[tilespmem:s0], [sflag:$0x3] =	stream.indirect_vreg.gather [hbm4b:s1+s3], $0x80, v4, vm0, $0xb8;
	[tilespmem:$0x1B280] =	vst v63  }
0x10f: {  	s7 =	rddreg [dreg:$0x1e]  }
0x110: {  	[tilespmem:s7], [sflag:$0x3] =	stream.indirect_vreg.gather [hbm4b:s1+s3], $0x80, v3, vm0, $0xb8;
	[tilespmem:$0x1B280] =	vst v63  }
0x111: {  	v3 =	vld [tilespmem:$0x150];
	_ =	sdelay $0x4  }
0x112: {  	v49 =	vshll.u32 v3, $0x1  }
0x113: {  	v3 =	vand.u32 $0x7, v3;
	v4 =	vand.u32 $0xFFFFFFF0, v49  }
0x114: {  	v3 =	vor.u32 v3, v4  }
0x115: {  	v4 =	vperm.xlane v3, v0;
	_ =	sdelay $0x1  }
0x116: {  	v3 =	vperm.xlane v3, v2;
	v4 =	vadd.s32 v1, v4;
	_ =	sdelay $0x1  }
0x117: {  	v3 =	vadd.s32 v1, v3  }
0x118: {  	s0 =	rddreg [dreg:$0x1f]  }
0x119: {  	s7 =	sld [smem:$0x7F3]  }
0x11a: {  	[tilespmem:s0], [sflag:$0x3] =	stream.indirect_vreg.gather [hbm4b:s1+s3], $0x80, v4, vm0, $0xb8;
	[tilespmem:$0x1B280] =	vst v63  }
0x11b: {  	_ = 	snop  }
0x11c: {  	[tilespmem:s7], [sflag:$0x3] =	stream.indirect_vreg.gather [hbm4b:s1+s3], $0x80, v3, vm0, $0xb8;
	[tilespmem:$0x1B280] =	vst v63  }
0x11d: {  	v3 =	vld [tilespmem:$0x160];
	_ =	sdelay $0x4  }
0x11e: {  	v50 =	vshll.u32 v3, $0x1  }
0x11f: {  	v3 =	vand.u32 $0x7, v3;
	v4 =	vand.u32 $0xFFFFFFF0, v50  }
0x120: {  	v3 =	vor.u32 v3, v4  }
0x121: {  	v4 =	vperm.xlane v3, v0;
	_ =	sdelay $0x1  }
0x122: {  	v3 =	vperm.xlane v3, v2;
	v4 =	vadd.s32 v1, v4;
	_ =	sdelay $0x1  }
0x123: {  	s0 =	sld [smem:$0x7F4];
	v3 =	vadd.s32 v1, v3;
	_ =	sdelay $0x1  }
0x124: {  	s7 =	sld [smem:$0x7F5]  }
0x125: {  	[tilespmem:s0], [sflag:$0x3] =	stream.indirect_vreg.gather [hbm4b:s1+s3], $0x80, v4, vm0, $0xb8;
	[tilespmem:$0x1B280] =	vst v63  }
0x126: {  	_ = 	snop  }
0x127: {  	[tilespmem:s7], [sflag:$0x3] =	stream.indirect_vreg.gather [hbm4b:s1+s3], $0x80, v3, vm0, $0xb8;
	[tilespmem:$0x1B280] =	vst v63  }
0x128: {  	v3 =	vld [tilespmem:$0x170];
	_ =	sdelay $0x4  }
0x129: {  	v51 =	vshll.u32 v3, $0x1  }
0x12a: {  	v3 =	vand.u32 $0x7, v3;
	v4 =	vand.u32 $0xFFFFFFF0, v51  }
0x12b: {  	v3 =	vor.u32 v3, v4  }
0x12c: {  	v4 =	vperm.xlane v3, v0;
	_ =	sdelay $0x1  }
0x12d: {  	v3 =	vperm.xlane v3, v2;
	v4 =	vadd.s32 v1, v4;
	_ =	sdelay $0x1  }
0x12e: {  	s0 =	sld [smem:$0x7F6];
	v3 =	vadd.s32 v1, v3;
	_ =	sdelay $0x1  }
0x12f: {  	s7 =	sld [smem:$0x7F7]  }
0x130: {  	[tilespmem:s0], [sflag:$0x3] =	stream.indirect_vreg.gather [hbm4b:s1+s3], $0x80, v4, vm0, $0xb8;
	[tilespmem:$0x1B280] =	vst v63  }
0x131: {  	_ = 	snop  }
0x132: {  	[tilespmem:s7], [sflag:$0x3] =	stream.indirect_vreg.gather [hbm4b:s1+s3], $0x80, v3, vm0, $0xb8;
	[tilespmem:$0x1B280] =	vst v63  }
0x133: {  	v3 =	vld [tilespmem:$0x180];
	_ =	sdelay $0x4  }
0x134: {  	v52 =	vshll.u32 v3, $0x1  }
0x135: {  	v3 =	vand.u32 $0x7, v3;
	v4 =	vand.u32 $0xFFFFFFF0, v52  }
0x136: {  	v3 =	vor.u32 v3, v4  }
0x137: {  	v4 =	vperm.xlane v3, v0;
	_ =	sdelay $0x1  }
0x138: {  	v3 =	vperm.xlane v3, v2;
	v4 =	vadd.s32 v1, v4;
	_ =	sdelay $0x1  }
0x139: {  	s0 =	sld [smem:$0x7F8];
	v3 =	vadd.s32 v1, v3;
	_ =	sdelay $0x1  }
0x13a: {  	s7 =	sld [smem:$0x7F9]  }
0x13b: {  	[tilespmem:s0], [sflag:$0x3] =	stream.indirect_vreg.gather [hbm4b:s1+s3], $0x80, v4, vm0, $0xb8;
	[tilespmem:$0x1B280] =	vst v63  }
0x13c: {  	_ = 	snop  }
0x13d: {  	[tilespmem:s7], [sflag:$0x3] =	stream.indirect_vreg.gather [hbm4b:s1+s3], $0x80, v3, vm0, $0xb8;
	[tilespmem:$0x1B280] =	vst v63  }
0x13e: {  	v3 =	vld [tilespmem:$0x190];
	_ =	sdelay $0x4  }
0x13f: {  	v53 =	vshll.u32 v3, $0x1  }
0x140: {  	v3 =	vand.u32 $0x7, v3;
	v4 =	vand.u32 $0xFFFFFFF0, v53  }
0x141: {  	v3 =	vor.u32 v3, v4  }
0x142: {  	v4 =	vperm.xlane v3, v0;
	_ =	sdelay $0x1  }
0x143: {  	v3 =	vperm.xlane v3, v2;
	v4 =	vadd.s32 v1, v4;
	_ =	sdelay $0x1  }
0x144: {  	s0 =	sld [smem:$0x7FA];
	v3 =	vadd.s32 v1, v3;
	_ =	sdelay $0x1  }
0x145: {  	s7 =	sld [smem:$0x7FB]  }
0x146: {  	[tilespmem:s0], [sflag:$0x3] =	stream.indirect_vreg.gather [hbm4b:s1+s3], $0x80, v4, vm0, $0xb8;
	[tilespmem:$0x1B280] =	vst v63  }
0x147: {  	_ = 	snop  }
0x148: {  	[tilespmem:s7], [sflag:$0x3] =	stream.indirect_vreg.gather [hbm4b:s1+s3], $0x80, v3, vm0, $0xb8;
	[tilespmem:$0x1B280] =	vst v63  }
0x149: {  	v3 =	vld [tilespmem:$0x1A0];
	_ =	sdelay $0x4  }
0x14a: {  	v54 =	vshll.u32 v3, $0x1  }
0x14b: {  	v3 =	vand.u32 $0x7, v3;
	v4 =	vand.u32 $0xFFFFFFF0, v54  }
0x14c: {  	v3 =	vor.u32 v3, v4  }
0x14d: {  	v4 =	vperm.xlane v3, v0;
	_ =	sdelay $0x1  }
0x14e: {  	v3 =	vperm.xlane v3, v2;
	v4 =	vadd.s32 v1, v4;
	_ =	sdelay $0x1  }
0x14f: {  	s0 =	sld [smem:$0x7FC];
	v3 =	vadd.s32 v1, v3;
	_ =	sdelay $0x1  }
0x150: {  	s7 =	sld [smem:$0x7FD]  }
0x151: {  	[tilespmem:s0], [sflag:$0x3] =	stream.indirect_vreg.gather [hbm4b:s1+s3], $0x80, v4, vm0, $0xb8;
	[tilespmem:$0x1B280] =	vst v63  }
0x152: {  	_ = 	snop  }
0x153: {  	[tilespmem:s7], [sflag:$0x3] =	stream.indirect_vreg.gather [hbm4b:s1+s3], $0x80, v3, vm0, $0xb8;
	[tilespmem:$0x1B280] =	vst v63  }
0x154: {  	_ =	swait.ge [sflag:s26], $0x9000  }
0x155: {  	[sflag:s26] =	ssyncset.done $0x0  }
0x156: {  	s7 =	rddreg [dreg:$0x5];
	[sflag:s26] =	ssyncadd.s32 $0xFFFF7000  }
0x157: {  	[hbm4b:s7+s3] =	stream.linear.scatter [tilespmem:s6], [sflag:$0x4], $0x9000, $0x38;
	[tilespmem:$0x1B280] =	vst v63  }
0x158: {  	_ =	swait.ge [sflag:s28], $0x9000  }
0x159: {  	[sflag:s28] =	ssyncset.done $0x0  }
0x15a: {  	[sflag:s28] =	ssyncadd.s32 $0xFFFF7000  }
0x15b: {  	v3 =	vld [tilespmem:$0x1B0];
	_ =	sdelay $0x4  }
0x15c: {  	v55 =	vshll.u32 v3, $0x1  }
0x15d: {  	v3 =	vand.u32 $0x7, v3;
	v4 =	vand.u32 $0xFFFFFFF0, v55  }
0x15e: {  	v3 =	vor.u32 v3, v4  }
0x15f: {  	v4 =	vperm.xlane v3, v0;
	_ =	sdelay $0x1  }
0x160: {  	v3 =	vperm.xlane v3, v2;
	v4 =	vadd.s32 v1, v4;
	_ =	sdelay $0x1  }
0x161: {  	v3 =	vadd.s32 v1, v3;
	_ =	sdelay $0x2  }
0x162: {  	[tilespmem:s6], [sflag:$0x1] =	stream.indirect_vreg.gather [hbm4b:s1+s3], $0x80, v4, vm0, $0xb8;
	[tilespmem:$0x1B280] =	vst v63  }
0x163: {  	_ = 	snop  }
0x164: {  	[tilespmem:s8], [sflag:$0x1] =	stream.indirect_vreg.gather [hbm4b:s1+s3], $0x80, v3, vm0, $0xb8;
	[tilespmem:$0x1B280] =	vst v63  }
0x165: {  	v3 =	vld [tilespmem:$0x1C0];
	_ =	sdelay $0x4  }
0x166: {  	v56 =	vshll.u32 v3, $0x1  }
0x167: {  	v3 =	vand.u32 $0x7, v3;
	v4 =	vand.u32 $0xFFFFFFF0, v56  }
0x168: {  	v3 =	vor.u32 v3, v4  }
0x169: {  	v4 =	vperm.xlane v3, v0;
	_ =	sdelay $0x1  }
0x16a: {  	v3 =	vperm.xlane v3, v2;
	v4 =	vadd.s32 v1, v4;
	_ =	sdelay $0x1  }
0x16b: {  	v3 =	vadd.s32 v1, v3;
	_ =	sdelay $0x2  }
0x16c: {  	[tilespmem:s9], [sflag:$0x1] =	stream.indirect_vreg.gather [hbm4b:s1+s3], $0x80, v4, vm0, $0xb8;
	[tilespmem:$0x1B280] =	vst v63  }
0x16d: {  	_ = 	snop  }
0x16e: {  	[tilespmem:s10], [sflag:$0x1] =	stream.indirect_vreg.gather [hbm4b:s1+s3], $0x80, v3, vm0, $0xb8;
	[tilespmem:$0x1B280] =	vst v63  }
0x16f: {  	v3 =	vld [tilespmem:$0x1D0];
	_ =	sdelay $0x4  }
0x170: {  	v57 =	vshll.u32 v3, $0x1  }
0x171: {  	v3 =	vand.u32 $0x7, v3;
	v4 =	vand.u32 $0xFFFFFFF0, v57  }
0x172: {  	v3 =	vor.u32 v3, v4  }
0x173: {  	v4 =	vperm.xlane v3, v0;
	_ =	sdelay $0x1  }
0x174: {  	v3 =	vperm.xlane v3, v2;
	v4 =	vadd.s32 v1, v4;
	_ =	sdelay $0x1  }
0x175: {  	v3 =	vadd.s32 v1, v3;
	_ =	sdelay $0x2  }
0x176: {  	[tilespmem:s11], [sflag:$0x1] =	stream.indirect_vreg.gather [hbm4b:s1+s3], $0x80, v4, vm0, $0xb8;
	[tilespmem:$0x1B280] =	vst v63  }
0x177: {  	_ = 	snop  }
0x178: {  	[tilespmem:s12], [sflag:$0x1] =	stream.indirect_vreg.gather [hbm4b:s1+s3], $0x80, v3, vm0, $0xb8;
	[tilespmem:$0x1B280] =	vst v63  }
0x179: {  	v3 =	vld [tilespmem:$0x1E0];
	_ =	sdelay $0x4  }
0x17a: {  	v58 =	vshll.u32 v3, $0x1  }
0x17b: {  	v3 =	vand.u32 $0x7, v3;
	v4 =	vand.u32 $0xFFFFFFF0, v58  }
0x17c: {  	v3 =	vor.u32 v3, v4  }
0x17d: {  	v4 =	vperm.xlane v3, v0;
	_ =	sdelay $0x1  }
0x17e: {  	v3 =	vperm.xlane v3, v2;
	v4 =	vadd.s32 v1, v4;
	_ =	sdelay $0x1  }
0x17f: {  	v3 =	vadd.s32 v1, v3;
	_ =	sdelay $0x2  }
0x180: {  	[tilespmem:s13], [sflag:$0x1] =	stream.indirect_vreg.gather [hbm4b:s1+s3], $0x80, v4, vm0, $0xb8;
	[tilespmem:$0x1B280] =	vst v63  }
0x181: {  	_ = 	snop  }
0x182: {  	[tilespmem:s14], [sflag:$0x1] =	stream.indirect_vreg.gather [hbm4b:s1+s3], $0x80, v3, vm0, $0xb8;
	[tilespmem:$0x1B280] =	vst v63  }
0x183: {  	v3 =	vld [tilespmem:$0x1F0];
	_ =	sdelay $0x4  }
0x184: {  	v59 =	vshll.u32 v3, $0x1  }
0x185: {  	v3 =	vand.u32 $0x7, v3;
	v4 =	vand.u32 $0xFFFFFFF0, v59  }
0x186: {  	v3 =	vor.u32 v3, v4  }
0x187: {  	v4 =	vperm.xlane v3, v0;
	_ =	sdelay $0x1  }
0x188: {  	v3 =	vperm.xlane v3, v2;
	v4 =	vadd.s32 v1, v4;
	_ =	sdelay $0x1  }
0x189: {  	v3 =	vadd.s32 v1, v3;
	_ =	sdelay $0x2  }
0x18a: {  	[tilespmem:s15], [sflag:$0x1] =	stream.indirect_vreg.gather [hbm4b:s1+s3], $0x80, v4, vm0, $0xb8;
	[tilespmem:$0x1B280] =	vst v63  }
0x18b: {  	_ = 	snop  }
0x18c: {  	[tilespmem:s16], [sflag:$0x1] =	stream.indirect_vreg.gather [hbm4b:s1+s3], $0x80, v3, vm0, $0xb8;
	[tilespmem:$0x1B280] =	vst v63  }
0x18d: {  	v3 =	vld [tilespmem:$0x200];
	_ =	sdelay $0x4  }
0x18e: {  	v60 =	vshll.u32 v3, $0x1  }
0x18f: {  	v3 =	vand.u32 $0x7, v3;
	v4 =	vand.u32 $0xFFFFFFF0, v60  }
0x190: {  	v3 =	vor.u32 v3, v4  }
0x191: {  	v4 =	vperm.xlane v3, v0;
	_ =	sdelay $0x1  }
0x192: {  	v3 =	vperm.xlane v3, v2;
	v4 =	vadd.s32 v1, v4;
	_ =	sdelay $0x1  }
0x193: {  	v3 =	vadd.s32 v1, v3;
	_ =	sdelay $0x2  }
0x194: {  	[tilespmem:s17], [sflag:$0x1] =	stream.indirect_vreg.gather [hbm4b:s1+s3], $0x80, v4, vm0, $0xb8;
	[tilespmem:$0x1B280] =	vst v63  }
0x195: {  	_ = 	snop  }
0x196: {  	[tilespmem:s18], [sflag:$0x1] =	stream.indirect_vreg.gather [hbm4b:s1+s3], $0x80, v3, vm0, $0xb8;
	[tilespmem:$0x1B280] =	vst v63  }
0x197: {  	v3 =	vld [tilespmem:$0x210];
	_ =	sdelay $0x4  }
0x198: {  	v61 =	vshll.u32 v3, $0x1  }
0x199: {  	v3 =	vand.u32 $0x7, v3;
	v4 =	vand.u32 $0xFFFFFFF0, v61  }
0x19a: {  	v3 =	vor.u32 v3, v4  }
0x19b: {  	v4 =	vperm.xlane v3, v0;
	_ =	sdelay $0x1  }
0x19c: {  	v3 =	vperm.xlane v3, v2;
	v4 =	vadd.s32 v1, v4;
	_ =	sdelay $0x1  }
0x19d: {  	v3 =	vadd.s32 v1, v3;
	_ =	sdelay $0x2  }
0x19e: {  	[tilespmem:s19], [sflag:$0x1] =	stream.indirect_vreg.gather [hbm4b:s1+s3], $0x80, v4, vm0, $0xb8;
	[tilespmem:$0x1B280] =	vst v63  }
0x19f: {  	_ = 	snop  }
0x1a0: {  	[tilespmem:s20], [sflag:$0x1] =	stream.indirect_vreg.gather [hbm4b:s1+s3], $0x80, v3, vm0, $0xb8;
	[tilespmem:$0x1B280] =	vst v63  }
0x1a1: {  	v3 =	vld [tilespmem:$0x220];
	_ =	sdelay $0x4  }
0x1a2: {  	v62 =	vshll.u32 v3, $0x1  }
0x1a3: {  	v3 =	vand.u32 $0x7, v3;
	v4 =	vand.u32 $0xFFFFFFF0, v62  }
0x1a4: {  	v3 =	vor.u32 v3, v4  }
0x1a5: {  	v4 =	vperm.xlane v3, v0;
	_ =	sdelay $0x1  }
0x1a6: {  	v3 =	vperm.xlane v3, v2;
	v4 =	vadd.s32 v1, v4;
	_ =	sdelay $0x1  }
0x1a7: {  	v3 =	vadd.s32 v1, v3;
	_ =	sdelay $0x2  }
0x1a8: {  	[tilespmem:s21], [sflag:$0x1] =	stream.indirect_vreg.gather [hbm4b:s1+s3], $0x80, v4, vm0, $0xb8;
	[tilespmem:$0x1B280] =	vst v63  }
0x1a9: {  	_ = 	snop  }
0x1aa: {  	[tilespmem:s22], [sflag:$0x1] =	stream.indirect_vreg.gather [hbm4b:s1+s3], $0x80, v3, vm0, $0xb8;
	[tilespmem:$0x1B280] =	vst v63  }
0x1ab: {  	v3 =	vld [tilespmem:$0x230];
	_ =	sdelay $0x4  }
0x1ac: {  	v63 =	vshll.u32 v3, $0x1  }
0x1ad: {  	v3 =	vand.u32 $0x7, v3;
	v4 =	vand.u32 $0xFFFFFFF0, v63  }
0x1ae: {  	v3 =	vor.u32 v3, v4  }
0x1af: {  	v4 =	vperm.xlane v3, v0;
	_ =	sdelay $0x1  }
0x1b0: {  	v3 =	vperm.xlane v3, v2;
	v4 =	vadd.s32 v1, v4;
	_ =	sdelay $0x1  }
0x1b1: {  	v3 =	vadd.s32 v1, v3;
	_ =	sdelay $0x2  }
0x1b2: {  	[tilespmem:s23], [sflag:$0x1] =	stream.indirect_vreg.gather [hbm4b:s1+s3], $0x80, v4, vm0, $0xb8;
	[tilespmem:$0x1B280] =	vst v63  }
0x1b3: {  	_ = 	snop  }
0x1b4: {  	[tilespmem:s24], [sflag:$0x1] =	stream.indirect_vreg.gather [hbm4b:s1+s3], $0x80, v3, vm0, $0xb8;
	[tilespmem:$0x1B280] =	vst v63  }
0x1b5: {  	_ =	swait.ge [sflag:s29], $0x9000  }
0x1b6: {  	[sflag:s29] =	ssyncset.done $0x0  }
0x1b7: {  	s7 =	rddreg [dreg:$0x6];
	[sflag:s29] =	ssyncadd.s32 $0xFFFF7000  }
0x1b8: {  	[hbm4b:s7+s3] =	stream.linear.scatter [tilespmem:s25], [sflag:$0x5], $0x9000, $0x38;
	[tilespmem:$0x1B280] =	vst v63  }
0x1b9: {  	_ =	swait.ge [sflag:s30], $0x9000  }
0x1ba: {  	[sflag:s30] =	ssyncset.done $0x0  }
0x1bb: {  	s7 =	rddreg [dreg:$0x7];
	[sflag:s30] =	ssyncadd.s32 $0xFFFF7000  }
0x1bc: {  	[hbm4b:s7+s3] =	stream.linear.scatter [tilespmem:s5], [sflag:$0x6], $0x9000, $0x38;
	[tilespmem:$0x1B280] =	vst v63  }
0x1bd: {  	_ =	swait.ge [sflag:s26], $0x9000  }
0x1be: {  	[sflag:s26] =	ssyncset.done $0x0  }
0x1bf: {  	s7 =	rddreg [dreg:$0x8];
	[sflag:s26] =	ssyncadd.s32 $0xFFFF7000  }
0x1c0: {  	[hbm4b:s7+s3] =	stream.linear.scatter [tilespmem:s6], [sflag:$0x4], $0x9000, $0x38;
	[tilespmem:$0x1B280] =	vst v63  }
0x1c1: {  	_ =	swait.ge [sflag:s31], $0x9000  }
0x1c2: {  	[sflag:s31] =	ssyncset.done $0x0  }
0x1c3: {  	[sflag:s31] =	ssyncadd.s32 $0xFFFF7000  }
0x1c4: {  	p0 =	sne.s32 s4, $0x1;
	_ =	swait.ge [sflag:s2], $0x9000  }
.Ltmp0:
0x1c5: {  	[sflag:s2] =	ssyncset.done $0x0;
	(pc) =	sbr.rel @p0 .LBB2_1-.Ltmp0, $4  }
0x1c6: {  	[sflag:s2] =	ssyncadd.s32 $0xFFFF7000  }
0x1c7: {  	_ =	swait.ge [sflag:s28], $0x9000  }
0x1c8: {  	[sflag:s28] =	ssyncset.done $0x0  }
0x1c9: {  	s4 =	sadd.s32 $0xFFFFFFFF, s4;
	[sflag:s28] =	ssyncadd.s32 $0xFFFF7000  }
0x1ca: {  	_ =	sfence.sel $0x180000  }
0x1cb: {  	[bflag:$0x0] =	sbarrier.arrive $0xFFFF  }
0x1cc: {  	_ =	strace $0x90000047  }
0x1cd: {  	s0 =	stileid.u32;
	[bflag:$0x2] =	sbarrier.arrive $0xFFFF  }
0x1ce: {  	p0 =	sne.s32 s0, $0x0;
	s0 =	rddreg [dreg:$0x3]  }
0x1cf: {  	s0 =	sadd.s32 @!p0 $0x100000, s0  }
0x1d0: {  	[sflag:s0] =	ssyncadd.tile.s32 @!p0 $0x1;
	_ =	shalt  }
.Lfunc_end2:
_tile_overlayer_lowered:
.L_overlay_start_2:
0x1d1: {  	(tag) =	ssettag $0x2  }
0x1d2: {  	s0 =	rddreg [dreg:$0x0];
	s2 =	stileid.u32  }
0x1d3: {  	s1 =	rddreg [dreg:$0x1];
	p0 =	sne.s32 s2, $0x0  }
0x1d4: {  	s3 =	rddreg [dreg:$0x2];
	[bflag:$0x3] =	sbarrier.arrive $0xFFFF;
	s2 =	simm.s32 @!p0 $0x1C07  }
0x1d5: {  	[timem:s3], [sflag:s2] =	dma.local @!p0 [hbm:s0], s1  }
0x1d6: {  	s0 =	simm.s32 @!p0 $0x7  }
0x1d7: {  	_ =	swait.ge @!p0 [sflag:s0], s1  }
0x1d8: {  	s1 =	ssub.s32 @!p0 $0x0, s1;
	[sflag:s0] =	ssyncset.done @!p0 $0x0  }
0x1d9: {  	[sflag:s0] =	ssyncadd.s32 @!p0 s1  }
0x1da: {  	[bflag:$0x3] =	sbarrier.arrive $0xFFFF  }
0x1db: {  	_ =	shalt  }

</sc_bundles>
